<compile_context>
chip_gen: v7x
topology: tpu7x:2x2x1
jax: 0.10.2.dev20260603
libtpu: 0.0.44.dev20260713+nightly
codegen_flags: <defaults>
</compile_context>

<pallas_src>
import functools

import jax
import jax.numpy as jnp
from jax import lax
from jax.experimental import pallas as pl
from jax.experimental.pallas import tpu as pltpu
from jax.experimental.pallas import tpu_sc as plsc

_B = 16384
_DIM = 64
_MARGIN = 1.0

_NC = 2
_NS = 16
_NW = _NC * _NS

_CHUNK = 512
_GRP = 16


def _sc_gather(ent_idx, rel_idx, ent_embs, rel_emb):
    n_ent_rows = ent_idx.shape[0]
    n_rel_rows = rel_idx.shape[0]
    ent_per_w = n_ent_rows // _NW
    rel_per_w = n_rel_rows // _NW
    mesh = plsc.VectorSubcoreMesh(core_axis_name="c", subcore_axis_name="s")

    @functools.partial(
        pl.kernel,
        out_type=(
            jax.ShapeDtypeStruct((n_ent_rows, _DIM), jnp.float32),
            jax.ShapeDtypeStruct((n_rel_rows, _DIM), jnp.float32),
        ),
        mesh=mesh,
        scratch_types=[
            pltpu.VMEM((_CHUNK,), jnp.int32),
            pltpu.VMEM((_CHUNK, _DIM), jnp.float32),
            pltpu.SemaphoreType.DMA,
        ],
    )
    def gather_kernel(ent_idx_hbm, rel_idx_hbm, ent_hbm, rel_hbm,
                      ent_out, rel_out, idx_v, rows_v, sem):
        wid = lax.axis_index("s") * _NC + lax.axis_index("c")

        def do_table(idx_hbm, tab_hbm, out_hbm, per_w, chunk, idx_v, rows_v):
            base = wid * per_w

            def chunk_body(c, carry):
                off = base + c * chunk
                pltpu.sync_copy(idx_hbm.at[pl.ds(off, chunk)], idx_v)

                def grp_fire(g, carry):
                    gbase = pl.multiple_of(g * _GRP, _GRP)
                    vec = idx_v[pl.ds(gbase, _GRP)]
                    for l in range(_GRP):
                        pltpu.make_async_copy(
                            tab_hbm.at[pl.ds(vec[l], 1), :],
                            rows_v.at[pl.ds(gbase + l, 1), :],
                            sem,
                        ).start()
                    return carry

                lax.fori_loop(0, chunk // _GRP, grp_fire, jnp.int32(0))

                def grp_drain(g, carry):
                    pltpu.make_async_copy(
                        tab_hbm.at[pl.ds(0, 1), :],
                        rows_v.at[pl.ds(0, 1), :],
                        sem,
                    ).wait()
                    return carry

                lax.fori_loop(0, chunk, grp_drain, jnp.int32(0))
                pltpu.sync_copy(rows_v, out_hbm.at[pl.ds(off, chunk)])
                return carry

            lax.fori_loop(0, per_w // chunk, chunk_body, jnp.int32(0))

        do_table(ent_idx_hbm, ent_hbm, ent_out, ent_per_w, _CHUNK,
                 idx_v, rows_v)
        do_table(rel_idx_hbm, rel_hbm, rel_out, rel_per_w, _CHUNK,
                 idx_v, rows_v)

    return gather_kernel(ent_idx, rel_idx, ent_embs, rel_emb)


_BLK = 2048


def _dense_body(hp_ref, tp_ref, hn_ref, tn_ref, r_ref, out_ref):
    i = pl.program_id(0)

    def nrm(x):
        n = jnp.sqrt(jnp.sum(x * x, axis=1, keepdims=True))
        return x / jnp.maximum(n, 1e-12)

    hp = nrm(hp_ref[...])
    tp = nrm(tp_ref[...])
    hn = nrm(hn_ref[...])
    tn = nrm(tn_ref[...])
    r = nrm(r_ref[...])
    pos_e = jnp.sqrt(jnp.sum((hp + r - tp) ** 2, axis=1))
    neg_e = jnp.sqrt(jnp.sum((hn + r - tn) ** 2, axis=1))
    loss = jnp.maximum(_MARGIN + pos_e - neg_e, 0.0)
    s = jnp.sum(loss)

    @pl.when(i == 0)
    def _init():
        out_ref[0, 0] = s

    @pl.when(i != 0)
    def _acc():
        out_ref[0, 0] += s

    @pl.when(i == pl.num_programs(0) - 1)
    def _final():
        out_ref[0, 0] = out_ref[0, 0] / _B


def _dense_loss(ent_rows, rel_rows):
    grid = _B // _BLK
    nblk = grid

    def section(k):
        return pl.BlockSpec((_BLK, _DIM), lambda i, k=k: (k * nblk + i, 0))

    return pl.pallas_call(
        _dense_body,
        grid=(grid,),
        in_specs=[section(0), section(1), section(2), section(3),
                  pl.BlockSpec((_BLK, _DIM), lambda i: (i, 0))],
        out_specs=pl.BlockSpec((1, 1), lambda i: (0, 0),
                               memory_space=pltpu.SMEM),
        out_shape=jax.ShapeDtypeStruct((1, 1), jnp.float32),
    )(ent_rows, ent_rows, ent_rows, ent_rows, rel_rows)


def kernel(pos_pairs, neg_pairs, rels, ent_embs, alignments, rel_emb):
    ent_idx = jnp.concatenate(
        [pos_pairs[:, 0], pos_pairs[:, 1], neg_pairs[:, 0], neg_pairs[:, 1]]
    )
    rel_idx = rels[:, 0]
    ent_rows, rel_rows = _sc_gather(ent_idx, rel_idx, ent_embs, rel_emb)
    out = _dense_loss(ent_rows, rel_rows)
    return out[0, 0]

# --- scband reference (transcript-rebuilt; emitter-appended) ---
"""Pipeline reference for scband-rel-trans-e-39591008534986 (READ-ONLY COPY).

The authoritative reference and input builder live on the scoring server;
editing this copy changes nothing except your own understanding.
"""

import jax, jax.numpy as jnp
import numpy as np

B = 16384
N_ENT = 1000000
N_REL = 1000
DIM = 64
MARGIN = 1.0


def _normalize(x):
    n = jnp.linalg.norm(x, axis=-1, keepdims=True)
    return x / jnp.maximum(n, 1e-12)


def _energy(head, tail, rel, ent_emb, rel_emb):
    h = _normalize(jnp.take(ent_emb, head, axis=0))
    r = _normalize(jnp.take(rel_emb, rel, axis=0))
    t = _normalize(jnp.take(ent_emb, tail, axis=0))
    return jnp.linalg.norm(h + r - t, axis=-1)


def setup_inputs(seed: int = 0) -> dict:
    key = jax.random.key(seed)
    k1, k2, k3, k4, k5, k6 = jax.random.split(key, 6)
    pos_pairs = jax.random.randint(k1, (B, 2), 0, N_ENT, dtype=jnp.int32)
    neg_pairs = jax.random.randint(k2, (B, 2), 0, N_ENT, dtype=jnp.int32)
    rels = jax.random.randint(k3, (B, 1), 0, N_REL, dtype=jnp.int32)
    alignments = jax.random.randint(k4, (B, 2), 0, N_ENT, dtype=jnp.int32)
    ent_embs = jax.random.normal(k5, (N_ENT, DIM), dtype=jnp.float32)
    # kaiming_uniform with linear nonlinearity: bound = sqrt(3) / sqrt(fan_in)
    bound = float(np.sqrt(3.0) / np.sqrt(DIM))
    rel_emb = jax.random.uniform(k6, (N_REL, DIM), minval=-bound, maxval=bound, dtype=jnp.float32)
    return {"pos_pairs": pos_pairs, "neg_pairs": neg_pairs, "rels": rels,
            "ent_embs": ent_embs, "alignments": alignments, "rel_emb": rel_emb}


def reference(pos_pairs, neg_pairs, rels, ent_embs, alignments, rel_emb):
    pos_head, pos_tail = pos_pairs[:, 0:1], pos_pairs[:, 1:2]
    neg_head, neg_tail = neg_pairs[:, 0:1], neg_pairs[:, 1:2]
    pos_energy = _energy(pos_head, pos_tail, rels, ent_embs, rel_emb)
    neg_energy = _energy(neg_head, neg_tail, rels, ent_embs, rel_emb)
    loss = MARGIN + pos_energy - neg_energy
    loss = jnp.maximum(loss, 0.0)
    return jnp.mean(loss)

if __name__ == "__main__":
    import jax
    _d = setup_inputs()
    print(jax.jit(kernel)(*tuple(_d.values())))

</pallas_src>

<mosaic_0001>
#map = affine_map<(d0, d1) -> (0)>
#map1 = affine_map<(d0, d1) -> (0, 0)>
module attributes {stable_mosaic.version = 14 : i64} {
  func.func @gather_kernel(%arg0: i32, %arg1: i32, %arg2: memref<65536xi32, #tpu.memory_space<hbm>>, %arg3: memref<16384xi32, #tpu.memory_space<hbm>>, %arg4: memref<1000000x64xf32, #tpu.memory_space<hbm>>, %arg5: memref<1000x64xf32, #tpu.memory_space<hbm>>, %arg6: memref<65536x64xf32, #tpu.memory_space<hbm>>, %arg7: memref<16384x64xf32, #tpu.memory_space<hbm>>, %arg8: memref<512xi32, #tpu.memory_space<vmem>>, %arg9: memref<512x64xf32, #tpu.memory_space<vmem>>, %arg10: memref<!tpu.dma_semaphore, #tpu.memory_space<semaphore_mem>>) attributes {dimension_semantics = [#tpu.dimension_semantics<core_parallel>, #tpu.dimension_semantics<subcore_parallel>], iteration_bounds = array<i64: 2, 16>, scalar_prefetch = 0 : i64, scratch_operands = 3 : i64, tpu.core_type = #tpu.core_type<sc_vector_subcore>, window_params = [{transform_indices = #map}, {transform_indices = #map}, {transform_indices = #map1}, {transform_indices = #map1}, {transform_indices = #map1}, {transform_indices = #map1}]} {
    %mul3A = arith.constant 2 : i32
    %mul3A_0 = arith.muli %arg1, %mul3A : i32
    %add3A = arith.addi %mul3A_0, %arg0 : i32
    %mul3A_1 = arith.constant 2048 : i32
    %mul3A_2 = arith.muli %add3A, %mul3A_1 : i32
    %scan3A = arith.constant 0 : i32
    %scan3A_3 = arith.constant 0 : i32
    %scan3A_4 = arith.constant 4 : i32
    %scan3A_5 = arith.addi %scan3A_3, %scan3A_4 : i32
    %scan3A_6 = arith.constant 1 : i32
    scf.for %scan3A_28 = %scan3A_3 to %scan3A_5 step %scan3A_6  : i32 {
      %mul3A_29 = arith.constant 512 : i32
      %mul3A_30 = arith.muli %scan3A_28, %mul3A_29 : i32
      %add3A_31 = arith.addi %mul3A_2, %mul3A_30 : i32
      "tpu.region"() ({
        %run_scoped3A = tpu.sem_alloc : memref<!tpu.dma_semaphore, #tpu.memory_space<semaphore_mem>>
        %dma_start3A = tpu.memref_slice %arg2[%add3A_31] : memref<65536xi32, #tpu.memory_space<hbm>> -> memref<512xi32, #tpu.memory_space<hbm>>
        %dma_start3A_44 = tpu.memref_slice %arg2[%add3A_31] : memref<65536xi32, #tpu.memory_space<hbm>> -> memref<512xi32, #tpu.memory_space<hbm>>
        tpu.enqueue_dma source(%dma_start3A_44 : memref<512xi32, #tpu.memory_space<hbm>>) target(%arg8 : memref<512xi32, #tpu.memory_space<vmem>>) target_semaphore(%run_scoped3A : memref<!tpu.dma_semaphore, #tpu.memory_space<semaphore_mem>>)
        %dma_wait3A = tpu.memref_slice %arg2[%add3A_31] : memref<65536xi32, #tpu.memory_space<hbm>> -> memref<512xi32, #tpu.memory_space<hbm>>
        %dma_wait3A_45 = tpu.memref_slice %arg2[%add3A_31] : memref<65536xi32, #tpu.memory_space<hbm>> -> memref<512xi32, #tpu.memory_space<hbm>>
        tpu.wait_dma2 semaphore(%run_scoped3A : memref<!tpu.dma_semaphore, #tpu.memory_space<semaphore_mem>>) src(%dma_wait3A_45 : memref<512xi32, #tpu.memory_space<hbm>>) dst(%arg8 : memref<512xi32, #tpu.memory_space<vmem>>)
        tpu.yield
      }) : () -> ()
      %scan3A_32 = arith.constant 0 : i32
      %scan3A_33 = arith.constant 0 : i32
      %scan3A_34 = arith.constant 32 : i32
      %scan3A_35 = arith.addi %scan3A_33, %scan3A_34 : i32
      %scan3A_36 = arith.constant 1 : i32
      scf.for %scan3A_44 = %scan3A_33 to %scan3A_35 step %scan3A_36  : i32 {
        %mul3A_45 = arith.constant 16 : i32
        %mul3A_46 = arith.muli %scan3A_44, %mul3A_45 : i32
        %multiple_of3A = tpu.assume_multiple %mul3A_46, 16 : i32
        %get3A = arith.index_cast %multiple_of3A : i32 to index
        %get3A_47 = tpu.vector_load %arg8[%get3A] {strides = array<i32>} : memref<512xi32, #tpu.memory_space<vmem>>, vector<16xi32>,
        %get3A_48 = vector.shape_cast %get3A_47 : vector<16xi32> to vector<16xi32>
        %slice3A = vector.extract_strided_slice %get3A_48 {offsets = [0], sizes = [1], strides = [1]} : vector<16xi32> to vector<1xi32>
        %squeeze3A = vector.extract %slice3A[0] : i32 from vector<1xi32>
        %add3A_49 = arith.constant 0 : i32
        %add3A_50 = arith.addi %multiple_of3A, %add3A_49 : i32
        %dma_start3A = arith.constant 0 : i32
        %dma_start3A_51 = tpu.memref_slice %arg9[%add3A_50, %dma_start3A] : memref<512x64xf32, #tpu.memory_space<vmem>> -> memref<1x64xf32, #tpu.memory_space<vmem>>
        %dma_start3A_52 = arith.constant 0 : i32
        %dma_start3A_53 = tpu.memref_slice %arg4[%squeeze3A, %dma_start3A_52] : memref<1000000x64xf32, #tpu.memory_space<hbm>> -> memref<1x64xf32, #tpu.memory_space<hbm>>
        %dma_start3A_54 = arith.constant 0 : i32
        %dma_start3A_55 = tpu.memref_slice %arg9[%add3A_50, %dma_start3A_54] : memref<512x64xf32, #tpu.memory_space<vmem>> -> memref<1x64xf32, #tpu.memory_space<vmem>>
        %dma_start3A_56 = arith.constant 0 : i32
        %dma_start3A_57 = tpu.memref_slice %arg4[%squeeze3A, %dma_start3A_56] : memref<1000000x64xf32, #tpu.memory_space<hbm>> -> memref<1x64xf32, #tpu.memory_space<hbm>>
        tpu.enqueue_dma source(%dma_start3A_57 : memref<1x64xf32, #tpu.memory_space<hbm>>) target(%dma_start3A_55 : memref<1x64xf32, #tpu.memory_space<vmem>>) target_semaphore(%arg10 : memref<!tpu.dma_semaphore, #tpu.memory_space<semaphore_mem>>)
        %slice3A_58 = vector.extract_strided_slice %get3A_48 {offsets = [1], sizes = [1], strides = [1]} : vector<16xi32> to vector<1xi32>
        %squeeze3A_59 = vector.extract %slice3A_58[0] : i32 from vector<1xi32>
        %add3A_60 = arith.constant 1 : i32
        %add3A_61 = arith.addi %multiple_of3A, %add3A_60 : i32
        %dma_start3A_62 = arith.constant 0 : i32
        %dma_start3A_63 = tpu.memref_slice %arg9[%add3A_61, %dma_start3A_62] : memref<512x64xf32, #tpu.memory_space<vmem>> -> memref<1x64xf32, #tpu.memory_space<vmem>>
        %dma_start3A_64 = arith.constant 0 : i32
        %dma_start3A_65 = tpu.memref_slice %arg4[%squeeze3A_59, %dma_start3A_64] : memref<1000000x64xf32, #tpu.memory_space<hbm>> -> memref<1x64xf32, #tpu.memory_space<hbm>>
        %dma_start3A_66 = arith.constant 0 : i32
        %dma_start3A_67 = tpu.memref_slice %arg9[%add3A_61, %dma_start3A_66] : memref<512x64xf32, #tpu.memory_space<vmem>> -> memref<1x64xf32, #tpu.memory_space<vmem>>
        %dma_start3A_68 = arith.constant 0 : i32
        %dma_start3A_69 = tpu.memref_slice %arg4[%squeeze3A_59, %dma_start3A_68] : memref<1000000x64xf32, #tpu.memory_space<hbm>> -> memref<1x64xf32, #tpu.memory_space<hbm>>
        tpu.enqueue_dma source(%dma_start3A_69 : memref<1x64xf32, #tpu.memory_space<hbm>>) target(%dma_start3A_67 : memref<1x64xf32, #tpu.memory_space<vmem>>) target_semaphore(%arg10 : memref<!tpu.dma_semaphore, #tpu.memory_space<semaphore_mem>>)
        %slice3A_70 = vector.extract_strided_slice %get3A_48 {offsets = [2], sizes = [1], strides = [1]} : vector<16xi32> to vector<1xi32>
        %squeeze3A_71 = vector.extract %slice3A_70[0] : i32 from vector<1xi32>
        %add3A_72 = arith.constant 2 : i32
        %add3A_73 = arith.addi %multiple_of3A, %add3A_72 : i32
        %dma_start3A_74 = arith.constant 0 : i32
        %dma_start3A_75 = tpu.memref_slice %arg9[%add3A_73, %dma_start3A_74] : memref<512x64xf32, #tpu.memory_space<vmem>> -> memref<1x64xf32, #tpu.memory_space<vmem>>
        %dma_start3A_76 = arith.constant 0 : i32
        %dma_start3A_77 = tpu.memref_slice %arg4[%squeeze3A_71, %dma_start3A_76] : memref<1000000x64xf32, #tpu.memory_space<hbm>> -> memref<1x64xf32, #tpu.memory_space<hbm>>
        %dma_start3A_78 = arith.constant 0 : i32
        %dma_start3A_79 = tpu.memref_slice %arg9[%add3A_73, %dma_start3A_78] : memref<512x64xf32, #tpu.memory_space<vmem>> -> memref<1x64xf32, #tpu.memory_space<vmem>>
        %dma_start3A_80 = arith.constant 0 : i32
        %dma_start3A_81 = tpu.memref_slice %arg4[%squeeze3A_71, %dma_start3A_80] : memref<1000000x64xf32, #tpu.memory_space<hbm>> -> memref<1x64xf32, #tpu.memory_space<hbm>>
        tpu.enqueue_dma source(%dma_start3A_81 : memref<1x64xf32, #tpu.memory_space<hbm>>) target(%dma_start3A_79 : memref<1x64xf32, #tpu.memory_space<vmem>>) target_semaphore(%arg10 : memref<!tpu.dma_semaphore, #tpu.memory_space<semaphore_mem>>)
        %slice3A_82 = vector.extract_strided_slice %get3A_48 {offsets = [3], sizes = [1], strides = [1]} : vector<16xi32> to vector<1xi32>
        %squeeze3A_83 = vector.extract %slice3A_82[0] : i32 from vector<1xi32>
        %add3A_84 = arith.constant 3 : i32
        %add3A_85 = arith.addi %multiple_of3A, %add3A_84 : i32
        %dma_start3A_86 = arith.constant 0 : i32
        %dma_start3A_87 = tpu.memref_slice %arg9[%add3A_85, %dma_start3A_86] : memref<512x64xf32, #tpu.memory_space<vmem>> -> memref<1x64xf32, #tpu.memory_space<vmem>>
        %dma_start3A_88 = arith.constant 0 : i32
        %dma_start3A_89 = tpu.memref_slice %arg4[%squeeze3A_83, %dma_start3A_88] : memref<1000000x64xf32, #tpu.memory_space<hbm>> -> memref<1x64xf32, #tpu.memory_space<hbm>>
        %dma_start3A_90 = arith.constant 0 : i32
        %dma_start3A_91 = tpu.memref_slice %arg9[%add3A_85, %dma_start3A_90] : memref<512x64xf32, #tpu.memory_space<vmem>> -> memref<1x64xf32, #tpu.memory_space<vmem>>
        %dma_start3A_92 = arith.constant 0 : i32
        %dma_start3A_93 = tpu.memref_slice %arg4[%squeeze3A_83, %dma_start3A_92] : memref<1000000x64xf32, #tpu.memory_space<hbm>> -> memref<1x64xf32, #tpu.memory_space<hbm>>
        tpu.enqueue_dma source(%dma_start3A_93 : memref<1x64xf32, #tpu.memory_space<hbm>>) target(%dma_start3A_91 : memref<1x64xf32, #tpu.memory_space<vmem>>) target_semaphore(%arg10 : memref<!tpu.dma_semaphore, #tpu.memory_space<semaphore_mem>>)
        %slice3A_94 = vector.extract_strided_slice %get3A_48 {offsets = [4], sizes = [1], strides = [1]} : vector<16xi32> to vector<1xi32>
        %squeeze3A_95 = vector.extract %slice3A_94[0] : i32 from vector<1xi32>
        %add3A_96 = arith.constant 4 : i32
        %add3A_97 = arith.addi %multiple_of3A, %add3A_96 : i32
        %dma_start3A_98 = arith.constant 0 : i32
        %dma_start3A_99 = tpu.memref_slice %arg9[%add3A_97, %dma_start3A_98] : memref<512x64xf32, #tpu.memory_space<vmem>> -> memref<1x64xf32, #tpu.memory_space<vmem>>
        %dma_start3A_100 = arith.constant 0 : i32
        %dma_start3A_101 = tpu.memref_slice %arg4[%squeeze3A_95, %dma_start3A_100] : memref<1000000x64xf32, #tpu.memory_space<hbm>> -> memref<1x64xf32, #tpu.memory_space<hbm>>
        %dma_start3A_102 = arith.constant 0 : i32
        %dma_start3A_103 = tpu.memref_slice %arg9[%add3A_97, %dma_start3A_102] : memref<512x64xf32, #tpu.memory_space<vmem>> -> memref<1x64xf32, #tpu.memory_space<vmem>>
        %dma_start3A_104 = arith.constant 0 : i32
        %dma_start3A_105 = tpu.memref_slice %arg4[%squeeze3A_95, %dma_start3A_104] : memref<1000000x64xf32, #tpu.memory_space<hbm>> -> memref<1x64xf32, #tpu.memory_space<hbm>>
        tpu.enqueue_dma source(%dma_start3A_105 : memref<1x64xf32, #tpu.memory_space<hbm>>) target(%dma_start3A_103 : memref<1x64xf32, #tpu.memory_space<vmem>>) target_semaphore(%arg10 : memref<!tpu.dma_semaphore, #tpu.memory_space<semaphore_mem>>)
        %slice3A_106 = vector.extract_strided_slice %get3A_48 {offsets = [5], sizes = [1], strides = [1]} : vector<16xi32> to vector<1xi32>
        %squeeze3A_107 = vector.extract %slice3A_106[0] : i32 from vector<1xi32>
        %add3A_108 = arith.constant 5 : i32
        %add3A_109 = arith.addi %multiple_of3A, %add3A_108 : i32
        %dma_start3A_110 = arith.constant 0 : i32
        %dma_start3A_111 = tpu.memref_slice %arg9[%add3A_109, %dma_start3A_110] : memref<512x64xf32, #tpu.memory_space<vmem>> -> memref<1x64xf32, #tpu.memory_space<vmem>>
        %dma_start3A_112 = arith.constant 0 : i32
        %dma_start3A_113 = tpu.memref_slice %arg4[%squeeze3A_107, %dma_start3A_112] : memref<1000000x64xf32, #tpu.memory_space<hbm>> -> memref<1x64xf32, #tpu.memory_space<hbm>>
        %dma_start3A_114 = arith.constant 0 : i32
        %dma_start3A_115 = tpu.memref_slice %arg9[%add3A_109, %dma_start3A_114] : memref<512x64xf32, #tpu.memory_space<vmem>> -> memref<1x64xf32, #tpu.memory_space<vmem>>
        %dma_start3A_116 = arith.constant 0 : i32
        %dma_start3A_117 = tpu.memref_slice %arg4[%squeeze3A_107, %dma_start3A_116] : memref<1000000x64xf32, #tpu.memory_space<hbm>> -> memref<1x64xf32, #tpu.memory_space<hbm>>
        tpu.enqueue_dma source(%dma_start3A_117 : memref<1x64xf32, #tpu.memory_space<hbm>>) target(%dma_start3A_115 : memref<1x64xf32, #tpu.memory_space<vmem>>) target_semaphore(%arg10 : memref<!tpu.dma_semaphore, #tpu.memory_space<semaphore_mem>>)
        %slice3A_118 = vector.extract_strided_slice %get3A_48 {offsets = [6], sizes = [1], strides = [1]} : vector<16xi32> to vector<1xi32>
        %squeeze3A_119 = vector.extract %slice3A_118[0] : i32 from vector<1xi32>
        %add3A_120 = arith.constant 6 : i32
        %add3A_121 = arith.addi %multiple_of3A, %add3A_120 : i32
        %dma_start3A_122 = arith.constant 0 : i32
        %dma_start3A_123 = tpu.memref_slice %arg9[%add3A_121, %dma_start3A_122] : memref<512x64xf32, #tpu.memory_space<vmem>> -> memref<1x64xf32, #tpu.memory_space<vmem>>
        %dma_start3A_124 = arith.constant 0 : i32
        %dma_start3A_125 = tpu.memref_slice %arg4[%squeeze3A_119, %dma_start3A_124] : memref<1000000x64xf32, #tpu.memory_space<hbm>> -> memref<1x64xf32, #tpu.memory_space<hbm>>
        %dma_start3A_126 = arith.constant 0 : i32
        %dma_start3A_127 = tpu.memref_slice %arg9[%add3A_121, %dma_start3A_126] : memref<512x64xf32, #tpu.memory_space<vmem>> -> memref<1x64xf32, #tpu.memory_space<vmem>>
        %dma_start3A_128 = arith.constant 0 : i32
        %dma_start3A_129 = tpu.memref_slice %arg4[%squeeze3A_119, %dma_start3A_128] : memref<1000000x64xf32, #tpu.memory_space<hbm>> -> memref<1x64xf32, #tpu.memory_space<hbm>>
        tpu.enqueue_dma source(%dma_start3A_129 : memref<1x64xf32, #tpu.memory_space<hbm>>) target(%dma_start3A_127 : memref<1x64xf32, #tpu.memory_space<vmem>>) target_semaphore(%arg10 : memref<!tpu.dma_semaphore, #tpu.memory_space<semaphore_mem>>)
        %slice3A_130 = vector.extract_strided_slice %get3A_48 {offsets = [7], sizes = [1], strides = [1]} : vector<16xi32> to vector<1xi32>
        %squeeze3A_131 = vector.extract %slice3A_130[0] : i32 from vector<1xi32>
        %add3A_132 = arith.constant 7 : i32
        %add3A_133 = arith.addi %multiple_of3A, %add3A_132 : i32
        %dma_start3A_134 = arith.constant 0 : i32
        %dma_start3A_135 = tpu.memref_slice %arg9[%add3A_133, %dma_start3A_134] : memref<512x64xf32, #tpu.memory_space<vmem>> -> memref<1x64xf32, #tpu.memory_space<vmem>>
        %dma_start3A_136 = arith.constant 0 : i32
        %dma_start3A_137 = tpu.memref_slice %arg4[%squeeze3A_131, %dma_start3A_136] : memref<1000000x64xf32, #tpu.memory_space<hbm>> -> memref<1x64xf32, #tpu.memory_space<hbm>>
        %dma_start3A_138 = arith.constant 0 : i32
        %dma_start3A_139 = tpu.memref_slice %arg9[%add3A_133, %dma_start3A_138] : memref<512x64xf32, #tpu.memory_space<vmem>> -> memref<1x64xf32, #tpu.memory_space<vmem>>
        %dma_start3A_140 = arith.constant 0 : i32
        %dma_start3A_141 = tpu.memref_slice %arg4[%squeeze3A_131, %dma_start3A_140] : memref<1000000x64xf32, #tpu.memory_space<hbm>> -> memref<1x64xf32, #tpu.memory_space<hbm>>
        tpu.enqueue_dma source(%dma_start3A_141 : memref<1x64xf32, #tpu.memory_space<hbm>>) target(%dma_start3A_139 : memref<1x64xf32, #tpu.memory_space<vmem>>) target_semaphore(%arg10 : memref<!tpu.dma_semaphore, #tpu.memory_space<semaphore_mem>>)
        %slice3A_142 = vector.extract_strided_slice %get3A_48 {offsets = [8], sizes = [1], strides = [1]} : vector<16xi32> to vector<1xi32>
        %squeeze3A_143 = vector.extract %slice3A_142[0] : i32 from vector<1xi32>
        %add3A_144 = arith.constant 8 : i32
        %add3A_145 = arith.addi %multiple_of3A, %add3A_144 : i32
        %dma_start3A_146 = arith.constant 0 : i32
        %dma_start3A_147 = tpu.memref_slice %arg9[%add3A_145, %dma_start3A_146] : memref<512x64xf32, #tpu.memory_space<vmem>> -> memref<1x64xf32, #tpu.memory_space<vmem>>
        %dma_start3A_148 = arith.constant 0 : i32
        %dma_start3A_149 = tpu.memref_slice %arg4[%squeeze3A_143, %dma_start3A_148] : memref<1000000x64xf32, #tpu.memory_space<hbm>> -> memref<1x64xf32, #tpu.memory_space<hbm>>
        %dma_start3A_150 = arith.constant 0 : i32
        %dma_start3A_151 = tpu.memref_slice %arg9[%add3A_145, %dma_start3A_150] : memref<512x64xf32, #tpu.memory_space<vmem>> -> memref<1x64xf32, #tpu.memory_space<vmem>>
        %dma_start3A_152 = arith.constant 0 : i32
        %dma_start3A_153 = tpu.memref_slice %arg4[%squeeze3A_143, %dma_start3A_152] : memref<1000000x64xf32, #tpu.memory_space<hbm>> -> memref<1x64xf32, #tpu.memory_space<hbm>>
        tpu.enqueue_dma source(%dma_start3A_153 : memref<1x64xf32, #tpu.memory_space<hbm>>) target(%dma_start3A_151 : memref<1x64xf32, #tpu.memory_space<vmem>>) target_semaphore(%arg10 : memref<!tpu.dma_semaphore, #tpu.memory_space<semaphore_mem>>)
        %slice3A_154 = vector.extract_strided_slice %get3A_48 {offsets = [9], sizes = [1], strides = [1]} : vector<16xi32> to vector<1xi32>
        %squeeze3A_155 = vector.extract %slice3A_154[0] : i32 from vector<1xi32>
        %add3A_156 = arith.constant 9 : i32
        %add3A_157 = arith.addi %multiple_of3A, %add3A_156 : i32
        %dma_start3A_158 = arith.constant 0 : i32
        %dma_start3A_159 = tpu.memref_slice %arg9[%add3A_157, %dma_start3A_158] : memref<512x64xf32, #tpu.memory_space<vmem>> -> memref<1x64xf32, #tpu.memory_space<vmem>>
        %dma_start3A_160 = arith.constant 0 : i32
        %dma_start3A_161 = tpu.memref_slice %arg4[%squeeze3A_155, %dma_start3A_160] : memref<1000000x64xf32, #tpu.memory_space<hbm>> -> memref<1x64xf32, #tpu.memory_space<hbm>>
        %dma_start3A_162 = arith.constant 0 : i32
        %dma_start3A_163 = tpu.memref_slice %arg9[%add3A_157, %dma_start3A_162] : memref<512x64xf32, #tpu.memory_space<vmem>> -> memref<1x64xf32, #tpu.memory_space<vmem>>
        %dma_start3A_164 = arith.constant 0 : i32
        %dma_start3A_165 = tpu.memref_slice %arg4[%squeeze3A_155, %dma_start3A_164] : memref<1000000x64xf32, #tpu.memory_space<hbm>> -> memref<1x64xf32, #tpu.memory_space<hbm>>
        tpu.enqueue_dma source(%dma_start3A_165 : memref<1x64xf32, #tpu.memory_space<hbm>>) target(%dma_start3A_163 : memref<1x64xf32, #tpu.memory_space<vmem>>) target_semaphore(%arg10 : memref<!tpu.dma_semaphore, #tpu.memory_space<semaphore_mem>>)
        %slice3A_166 = vector.extract_strided_slice %get3A_48 {offsets = [10], sizes = [1], strides = [1]} : vector<16xi32> to vector<1xi32>
        %squeeze3A_167 = vector.extract %slice3A_166[0] : i32 from vector<1xi32>
        %add3A_168 = arith.constant 10 : i32
        %add3A_169 = arith.addi %multiple_of3A, %add3A_168 : i32
        %dma_start3A_170 = arith.constant 0 : i32
        %dma_start3A_171 = tpu.memref_slice %arg9[%add3A_169, %dma_start3A_170] : memref<512x64xf32, #tpu.memory_space<vmem>> -> memref<1x64xf32, #tpu.memory_space<vmem>>
        %dma_start3A_172 = arith.constant 0 : i32
        %dma_start3A_173 = tpu.memref_slice %arg4[%squeeze3A_167, %dma_start3A_172] : memref<1000000x64xf32, #tpu.memory_space<hbm>> -> memref<1x64xf32, #tpu.memory_space<hbm>>
        %dma_start3A_174 = arith.constant 0 : i32
        %dma_start3A_175 = tpu.memref_slice %arg9[%add3A_169, %dma_start3A_174] : memref<512x64xf32, #tpu.memory_space<vmem>> -> memref<1x64xf32, #tpu.memory_space<vmem>>
        %dma_start3A_176 = arith.constant 0 : i32
        %dma_start3A_177 = tpu.memref_slice %arg4[%squeeze3A_167, %dma_start3A_176] : memref<1000000x64xf32, #tpu.memory_space<hbm>> -> memref<1x64xf32, #tpu.memory_space<hbm>>
        tpu.enqueue_dma source(%dma_start3A_177 : memref<1x64xf32, #tpu.memory_space<hbm>>) target(%dma_start3A_175 : memref<1x64xf32, #tpu.memory_space<vmem>>) target_semaphore(%arg10 : memref<!tpu.dma_semaphore, #tpu.memory_space<semaphore_mem>>)
        %slice3A_178 = vector.extract_strided_slice %get3A_48 {offsets = [11], sizes = [1], strides = [1]} : vector<16xi32> to vector<1xi32>
        %squeeze3A_179 = vector.extract %slice3A_178[0] : i32 from vector<1xi32>
        %add3A_180 = arith.constant 11 : i32
        %add3A_181 = arith.addi %multiple_of3A, %add3A_180 : i32
        %dma_start3A_182 = arith.constant 0 : i32
        %dma_start3A_183 = tpu.memref_slice %arg9[%add3A_181, %dma_start3A_182] : memref<512x64xf32, #tpu.memory_space<vmem>> -> memref<1x64xf32, #tpu.memory_space<vmem>>
        %dma_start3A_184 = arith.constant 0 : i32
        %dma_start3A_185 = tpu.memref_slice %arg4[%squeeze3A_179, %dma_start3A_184] : memref<1000000x64xf32, #tpu.memory_space<hbm>> -> memref<1x64xf32, #tpu.memory_space<hbm>>
        %dma_start3A_186 = arith.constant 0 : i32
        %dma_start3A_187 = tpu.memref_slice %arg9[%add3A_181, %dma_start3A_186] : memref<512x64xf32, #tpu.memory_space<vmem>> -> memref<1x64xf32, #tpu.memory_space<vmem>>
        %dma_start3A_188 = arith.constant 0 : i32
        %dma_start3A_189 = tpu.memref_slice %arg4[%squeeze3A_179, %dma_start3A_188] : memref<1000000x64xf32, #tpu.memory_space<hbm>> -> memref<1x64xf32, #tpu.memory_space<hbm>>
        tpu.enqueue_dma source(%dma_start3A_189 : memref<1x64xf32, #tpu.memory_space<hbm>>) target(%dma_start3A_187 : memref<1x64xf32, #tpu.memory_space<vmem>>) target_semaphore(%arg10 : memref<!tpu.dma_semaphore, #tpu.memory_space<semaphore_mem>>)
        %slice3A_190 = vector.extract_strided_slice %get3A_48 {offsets = [12], sizes = [1], strides = [1]} : vector<16xi32> to vector<1xi32>
        %squeeze3A_191 = vector.extract %slice3A_190[0] : i32 from vector<1xi32>
        %add3A_192 = arith.constant 12 : i32
        %add3A_193 = arith.addi %multiple_of3A, %add3A_192 : i32
        %dma_start3A_194 = arith.constant 0 : i32
        %dma_start3A_195 = tpu.memref_slice %arg9[%add3A_193, %dma_start3A_194] : memref<512x64xf32, #tpu.memory_space<vmem>> -> memref<1x64xf32, #tpu.memory_space<vmem>>
        %dma_start3A_196 = arith.constant 0 : i32
        %dma_start3A_197 = tpu.memref_slice %arg4[%squeeze3A_191, %dma_start3A_196] : memref<1000000x64xf32, #tpu.memory_space<hbm>> -> memref<1x64xf32, #tpu.memory_space<hbm>>
        %dma_start3A_198 = arith.constant 0 : i32
        %dma_start3A_199 = tpu.memref_slice %arg9[%add3A_193, %dma_start3A_198] : memref<512x64xf32, #tpu.memory_space<vmem>> -> memref<1x64xf32, #tpu.memory_space<vmem>>
        %dma_start3A_200 = arith.constant 0 : i32
        %dma_start3A_201 = tpu.memref_slice %arg4[%squeeze3A_191, %dma_start3A_200] : memref<1000000x64xf32, #tpu.memory_space<hbm>> -> memref<1x64xf32, #tpu.memory_space<hbm>>
        tpu.enqueue_dma source(%dma_start3A_201 : memref<1x64xf32, #tpu.memory_space<hbm>>) target(%dma_start3A_199 : memref<1x64xf32, #tpu.memory_space<vmem>>) target_semaphore(%arg10 : memref<!tpu.dma_semaphore, #tpu.memory_space<semaphore_mem>>)
        %slice3A_202 = vector.extract_strided_slice %get3A_48 {offsets = [13], sizes = [1], strides = [1]} : vector<16xi32> to vector<1xi32>
        %squeeze3A_203 = vector.extract %slice3A_202[0] : i32 from vector<1xi32>
        %add3A_204 = arith.constant 13 : i32
        %add3A_205 = arith.addi %multiple_of3A, %add3A_204 : i32
        %dma_start3A_206 = arith.constant 0 : i32
        %dma_start3A_207 = tpu.memref_slice %arg9[%add3A_205, %dma_start3A_206] : memref<512x64xf32, #tpu.memory_space<vmem>> -> memref<1x64xf32, #tpu.memory_space<vmem>>
        %dma_start3A_208 = arith.constant 0 : i32
        %dma_start3A_209 = tpu.memref_slice %arg4[%squeeze3A_203, %dma_start3A_208] : memref<1000000x64xf32, #tpu.memory_space<hbm>> -> memref<1x64xf32, #tpu.memory_space<hbm>>
        %dma_start3A_210 = arith.constant 0 : i32
        %dma_start3A_211 = tpu.memref_slice %arg9[%add3A_205, %dma_start3A_210] : memref<512x64xf32, #tpu.memory_space<vmem>> -> memref<1x64xf32, #tpu.memory_space<vmem>>
        %dma_start3A_212 = arith.constant 0 : i32
        %dma_start3A_213 = tpu.memref_slice %arg4[%squeeze3A_203, %dma_start3A_212] : memref<1000000x64xf32, #tpu.memory_space<hbm>> -> memref<1x64xf32, #tpu.memory_space<hbm>>
        tpu.enqueue_dma source(%dma_start3A_213 : memref<1x64xf32, #tpu.memory_space<hbm>>) target(%dma_start3A_211 : memref<1x64xf32, #tpu.memory_space<vmem>>) target_semaphore(%arg10 : memref<!tpu.dma_semaphore, #tpu.memory_space<semaphore_mem>>)
        %slice3A_214 = vector.extract_strided_slice %get3A_48 {offsets = [14], sizes = [1], strides = [1]} : vector<16xi32> to vector<1xi32>
        %squeeze3A_215 = vector.extract %slice3A_214[0] : i32 from vector<1xi32>
        %add3A_216 = arith.constant 14 : i32
        %add3A_217 = arith.addi %multiple_of3A, %add3A_216 : i32
        %dma_start3A_218 = arith.constant 0 : i32
        %dma_start3A_219 = tpu.memref_slice %arg9[%add3A_217, %dma_start3A_218] : memref<512x64xf32, #tpu.memory_space<vmem>> -> memref<1x64xf32, #tpu.memory_space<vmem>>
        %dma_start3A_220 = arith.constant 0 : i32
        %dma_start3A_221 = tpu.memref_slice %arg4[%squeeze3A_215, %dma_start3A_220] : memref<1000000x64xf32, #tpu.memory_space<hbm>> -> memref<1x64xf32, #tpu.memory_space<hbm>>
        %dma_start3A_222 = arith.constant 0 : i32
        %dma_start3A_223 = tpu.memref_slice %arg9[%add3A_217, %dma_start3A_222] : memref<512x64xf32, #tpu.memory_space<vmem>> -> memref<1x64xf32, #tpu.memory_space<vmem>>
        %dma_start3A_224 = arith.constant 0 : i32
        %dma_start3A_225 = tpu.memref_slice %arg4[%squeeze3A_215, %dma_start3A_224] : memref<1000000x64xf32, #tpu.memory_space<hbm>> -> memref<1x64xf32, #tpu.memory_space<hbm>>
        tpu.enqueue_dma source(%dma_start3A_225 : memref<1x64xf32, #tpu.memory_space<hbm>>) target(%dma_start3A_223 : memref<1x64xf32, #tpu.memory_space<vmem>>) target_semaphore(%arg10 : memref<!tpu.dma_semaphore, #tpu.memory_space<semaphore_mem>>)
        %slice3A_226 = vector.extract_strided_slice %get3A_48 {offsets = [15], sizes = [1], strides = [1]} : vector<16xi32> to vector<1xi32>
        %squeeze3A_227 = vector.extract %slice3A_226[0] : i32 from vector<1xi32>
        %add3A_228 = arith.constant 15 : i32
        %add3A_229 = arith.addi %multiple_of3A, %add3A_228 : i32
        %dma_start3A_230 = arith.constant 0 : i32
        %dma_start3A_231 = tpu.memref_slice %arg9[%add3A_229, %dma_start3A_230] : memref<512x64xf32, #tpu.memory_space<vmem>> -> memref<1x64xf32, #tpu.memory_space<vmem>>
        %dma_start3A_232 = arith.constant 0 : i32
        %dma_start3A_233 = tpu.memref_slice %arg4[%squeeze3A_227, %dma_start3A_232] : memref<1000000x64xf32, #tpu.memory_space<hbm>> -> memref<1x64xf32, #tpu.memory_space<hbm>>
        %dma_start3A_234 = arith.constant 0 : i32
        %dma_start3A_235 = tpu.memref_slice %arg9[%add3A_229, %dma_start3A_234] : memref<512x64xf32, #tpu.memory_space<vmem>> -> memref<1x64xf32, #tpu.memory_space<vmem>>
        %dma_start3A_236 = arith.constant 0 : i32
        %dma_start3A_237 = tpu.memref_slice %arg4[%squeeze3A_227, %dma_start3A_236] : memref<1000000x64xf32, #tpu.memory_space<hbm>> -> memref<1x64xf32, #tpu.memory_space<hbm>>
        tpu.enqueue_dma source(%dma_start3A_237 : memref<1x64xf32, #tpu.memory_space<hbm>>) target(%dma_start3A_235 : memref<1x64xf32, #tpu.memory_space<vmem>>) target_semaphore(%arg10 : memref<!tpu.dma_semaphore, #tpu.memory_space<semaphore_mem>>)
      }
      %scan3A_37 = arith.constant 32 : i32
      %scan3A_38 = arith.constant 0 : i32
      %scan3A_39 = arith.constant 0 : i32
      %scan3A_40 = arith.constant 512 : i32
      %scan3A_41 = arith.addi %scan3A_39, %scan3A_40 : i32
      %scan3A_42 = arith.constant 1 : i32
      scf.for %scan3A_44 = %scan3A_39 to %scan3A_41 step %scan3A_42  : i32 {
        %dma_wait3A = arith.constant 0 : i32
        %dma_wait3A_45 = arith.constant 0 : i32
        %dma_wait3A_46 = tpu.memref_slice %arg9[%dma_wait3A, %dma_wait3A_45] : memref<512x64xf32, #tpu.memory_space<vmem>> -> memref<1x64xf32, #tpu.memory_space<vmem>>
        %dma_wait3A_47 = arith.constant 0 : i32
        %dma_wait3A_48 = arith.constant 0 : i32
        %dma_wait3A_49 = tpu.memref_slice %arg4[%dma_wait3A_47, %dma_wait3A_48] : memref<1000000x64xf32, #tpu.memory_space<hbm>> -> memref<1x64xf32, #tpu.memory_space<hbm>>
        %dma_wait3A_50 = arith.constant 0 : i32
        %dma_wait3A_51 = arith.constant 0 : i32
        %dma_wait3A_52 = tpu.memref_slice %arg9[%dma_wait3A_50, %dma_wait3A_51] : memref<512x64xf32, #tpu.memory_space<vmem>> -> memref<1x64xf32, #tpu.memory_space<vmem>>
        %dma_wait3A_53 = arith.constant 0 : i32
        %dma_wait3A_54 = arith.constant 0 : i32
        %dma_wait3A_55 = tpu.memref_slice %arg4[%dma_wait3A_53, %dma_wait3A_54] : memref<1000000x64xf32, #tpu.memory_space<hbm>> -> memref<1x64xf32, #tpu.memory_space<hbm>>
        tpu.wait_dma2 semaphore(%arg10 : memref<!tpu.dma_semaphore, #tpu.memory_space<semaphore_mem>>) src(%dma_wait3A_55 : memref<1x64xf32, #tpu.memory_space<hbm>>) dst(%dma_wait3A_52 : memref<1x64xf32, #tpu.memory_space<vmem>>)
      }
      %scan3A_43 = arith.constant 512 : i32
      "tpu.region"() ({
        %run_scoped3A = tpu.sem_alloc : memref<!tpu.dma_semaphore, #tpu.memory_space<semaphore_mem>>
        %dma_start3A = arith.constant 0 : i32
        %dma_start3A_44 = tpu.memref_slice %arg6[%add3A_31, %dma_start3A] : memref<65536x64xf32, #tpu.memory_space<hbm>> -> memref<512x64xf32, #tpu.memory_space<hbm>>
        %dma_start3A_45 = arith.constant 0 : i32
        %dma_start3A_46 = tpu.memref_slice %arg6[%add3A_31, %dma_start3A_45] : memref<65536x64xf32, #tpu.memory_space<hbm>> -> memref<512x64xf32, #tpu.memory_space<hbm>>
        tpu.enqueue_dma source(%arg9 : memref<512x64xf32, #tpu.memory_space<vmem>>) target(%dma_start3A_46 : memref<512x64xf32, #tpu.memory_space<hbm>>) target_semaphore(%run_scoped3A : memref<!tpu.dma_semaphore, #tpu.memory_space<semaphore_mem>>)
        %dma_wait3A = arith.constant 0 : i32
        %dma_wait3A_47 = tpu.memref_slice %arg6[%add3A_31, %dma_wait3A] : memref<65536x64xf32, #tpu.memory_space<hbm>> -> memref<512x64xf32, #tpu.memory_space<hbm>>
        %dma_wait3A_48 = arith.constant 0 : i32
        %dma_wait3A_49 = tpu.memref_slice %arg6[%add3A_31, %dma_wait3A_48] : memref<65536x64xf32, #tpu.memory_space<hbm>> -> memref<512x64xf32, #tpu.memory_space<hbm>>
        tpu.wait_dma2 semaphore(%run_scoped3A : memref<!tpu.dma_semaphore, #tpu.memory_space<semaphore_mem>>) src(%arg9 : memref<512x64xf32, #tpu.memory_space<vmem>>) dst(%dma_wait3A_49 : memref<512x64xf32, #tpu.memory_space<hbm>>)
        tpu.yield
      }) : () -> ()
    }
    %scan3A_7 = arith.constant 4 : i32
    %mul3A_8 = arith.constant 512 : i32
    %mul3A_9 = arith.muli %add3A, %mul3A_8 : i32
    %scan3A_10 = arith.constant 0 : i32
    %scan3A_11 = arith.constant 0 : i32
    %mul3A_12 = arith.constant 512 : i32
    %mul3A_13 = arith.muli %scan3A_11, %mul3A_12 : i32
    %add3A_14 = arith.addi %mul3A_9, %mul3A_13 : i32
    "tpu.region"() ({
      %run_scoped3A = tpu.sem_alloc : memref<!tpu.dma_semaphore, #tpu.memory_space<semaphore_mem>>
      %dma_start3A = tpu.memref_slice %arg3[%add3A_14] : memref<16384xi32, #tpu.memory_space<hbm>> -> memref<512xi32, #tpu.memory_space<hbm>>
      %dma_start3A_28 = tpu.memref_slice %arg3[%add3A_14] : memref<16384xi32, #tpu.memory_space<hbm>> -> memref<512xi32, #tpu.memory_space<hbm>>
      tpu.enqueue_dma source(%dma_start3A_28 : memref<512xi32, #tpu.memory_space<hbm>>) target(%arg8 : memref<512xi32, #tpu.memory_space<vmem>>) target_semaphore(%run_scoped3A : memref<!tpu.dma_semaphore, #tpu.memory_space<semaphore_mem>>)
      %dma_wait3A = tpu.memref_slice %arg3[%add3A_14] : memref<16384xi32, #tpu.memory_space<hbm>> -> memref<512xi32, #tpu.memory_space<hbm>>
      %dma_wait3A_29 = tpu.memref_slice %arg3[%add3A_14] : memref<16384xi32, #tpu.memory_space<hbm>> -> memref<512xi32, #tpu.memory_space<hbm>>
      tpu.wait_dma2 semaphore(%run_scoped3A : memref<!tpu.dma_semaphore, #tpu.memory_space<semaphore_mem>>) src(%dma_wait3A_29 : memref<512xi32, #tpu.memory_space<hbm>>) dst(%arg8 : memref<512xi32, #tpu.memory_space<vmem>>)
      tpu.yield
    }) : () -> ()
    %scan3A_15 = arith.constant 0 : i32
    %scan3A_16 = arith.constant 0 : i32
    %scan3A_17 = arith.constant 32 : i32
    %scan3A_18 = arith.addi %scan3A_16, %scan3A_17 : i32
    %scan3A_19 = arith.constant 1 : i32
    scf.for %scan3A_28 = %scan3A_16 to %scan3A_18 step %scan3A_19  : i32 {
      %mul3A_29 = arith.constant 16 : i32
      %mul3A_30 = arith.muli %scan3A_28, %mul3A_29 : i32
      %multiple_of3A = tpu.assume_multiple %mul3A_30, 16 : i32
      %get3A = arith.index_cast %multiple_of3A : i32 to index
      %get3A_31 = tpu.vector_load %arg8[%get3A] {strides = array<i32>} : memref<512xi32, #tpu.memory_space<vmem>>, vector<16xi32>,
      %get3A_32 = vector.shape_cast %get3A_31 : vector<16xi32> to vector<16xi32>
      %slice3A = vector.extract_strided_slice %get3A_32 {offsets = [0], sizes = [1], strides = [1]} : vector<16xi32> to vector<1xi32>
      %squeeze3A = vector.extract %slice3A[0] : i32 from vector<1xi32>
      %add3A_33 = arith.constant 0 : i32
      %add3A_34 = arith.addi %multiple_of3A, %add3A_33 : i32
      %dma_start3A = arith.constant 0 : i32
      %dma_start3A_35 = tpu.memref_slice %arg9[%add3A_34, %dma_start3A] : memref<512x64xf32, #tpu.memory_space<vmem>> -> memref<1x64xf32, #tpu.memory_space<vmem>>
      %dma_start3A_36 = arith.constant 0 : i32
      %dma_start3A_37 = tpu.memref_slice %arg5[%squeeze3A, %dma_start3A_36] : memref<1000x64xf32, #tpu.memory_space<hbm>> -> memref<1x64xf32, #tpu.memory_space<hbm>>
      %dma_start3A_38 = arith.constant 0 : i32
      %dma_start3A_39 = tpu.memref_slice %arg9[%add3A_34, %dma_start3A_38] : memref<512x64xf32, #tpu.memory_space<vmem>> -> memref<1x64xf32, #tpu.memory_space<vmem>>
      %dma_start3A_40 = arith.constant 0 : i32
      %dma_start3A_41 = tpu.memref_slice %arg5[%squeeze3A, %dma_start3A_40] : memref<1000x64xf32, #tpu.memory_space<hbm>> -> memref<1x64xf32, #tpu.memory_space<hbm>>
      tpu.enqueue_dma source(%dma_start3A_41 : memref<1x64xf32, #tpu.memory_space<hbm>>) target(%dma_start3A_39 : memref<1x64xf32, #tpu.memory_space<vmem>>) target_semaphore(%arg10 : memref<!tpu.dma_semaphore, #tpu.memory_space<semaphore_mem>>)
      %slice3A_42 = vector.extract_strided_slice %get3A_32 {offsets = [1], sizes = [1], strides = [1]} : vector<16xi32> to vector<1xi32>
      %squeeze3A_43 = vector.extract %slice3A_42[0] : i32 from vector<1xi32>
      %add3A_44 = arith.constant 1 : i32
      %add3A_45 = arith.addi %multiple_of3A, %add3A_44 : i32
      %dma_start3A_46 = arith.constant 0 : i32
      %dma_start3A_47 = tpu.memref_slice %arg9[%add3A_45, %dma_start3A_46] : memref<512x64xf32, #tpu.memory_space<vmem>> -> memref<1x64xf32, #tpu.memory_space<vmem>>
      %dma_start3A_48 = arith.constant 0 : i32
      %dma_start3A_49 = tpu.memref_slice %arg5[%squeeze3A_43, %dma_start3A_48] : memref<1000x64xf32, #tpu.memory_space<hbm>> -> memref<1x64xf32, #tpu.memory_space<hbm>>
      %dma_start3A_50 = arith.constant 0 : i32
      %dma_start3A_51 = tpu.memref_slice %arg9[%add3A_45, %dma_start3A_50] : memref<512x64xf32, #tpu.memory_space<vmem>> -> memref<1x64xf32, #tpu.memory_space<vmem>>
      %dma_start3A_52 = arith.constant 0 : i32
      %dma_start3A_53 = tpu.memref_slice %arg5[%squeeze3A_43, %dma_start3A_52] : memref<1000x64xf32, #tpu.memory_space<hbm>> -> memref<1x64xf32, #tpu.memory_space<hbm>>
      tpu.enqueue_dma source(%dma_start3A_53 : memref<1x64xf32, #tpu.memory_space<hbm>>) target(%dma_start3A_51 : memref<1x64xf32, #tpu.memory_space<vmem>>) target_semaphore(%arg10 : memref<!tpu.dma_semaphore, #tpu.memory_space<semaphore_mem>>)
      %slice3A_54 = vector.extract_strided_slice %get3A_32 {offsets = [2], sizes = [1], strides = [1]} : vector<16xi32> to vector<1xi32>
      %squeeze3A_55 = vector.extract %slice3A_54[0] : i32 from vector<1xi32>
      %add3A_56 = arith.constant 2 : i32
      %add3A_57 = arith.addi %multiple_of3A, %add3A_56 : i32
      %dma_start3A_58 = arith.constant 0 : i32
      %dma_start3A_59 = tpu.memref_slice %arg9[%add3A_57, %dma_start3A_58] : memref<512x64xf32, #tpu.memory_space<vmem>> -> memref<1x64xf32, #tpu.memory_space<vmem>>
      %dma_start3A_60 = arith.constant 0 : i32
      %dma_start3A_61 = tpu.memref_slice %arg5[%squeeze3A_55, %dma_start3A_60] : memref<1000x64xf32, #tpu.memory_space<hbm>> -> memref<1x64xf32, #tpu.memory_space<hbm>>
      %dma_start3A_62 = arith.constant 0 : i32
      %dma_start3A_63 = tpu.memref_slice %arg9[%add3A_57, %dma_start3A_62] : memref<512x64xf32, #tpu.memory_space<vmem>> -> memref<1x64xf32, #tpu.memory_space<vmem>>
      %dma_start3A_64 = arith.constant 0 : i32
      %dma_start3A_65 = tpu.memref_slice %arg5[%squeeze3A_55, %dma_start3A_64] : memref<1000x64xf32, #tpu.memory_space<hbm>> -> memref<1x64xf32, #tpu.memory_space<hbm>>
      tpu.enqueue_dma source(%dma_start3A_65 : memref<1x64xf32, #tpu.memory_space<hbm>>) target(%dma_start3A_63 : memref<1x64xf32, #tpu.memory_space<vmem>>) target_semaphore(%arg10 : memref<!tpu.dma_semaphore, #tpu.memory_space<semaphore_mem>>)
      %slice3A_66 = vector.extract_strided_slice %get3A_32 {offsets = [3], sizes = [1], strides = [1]} : vector<16xi32> to vector<1xi32>
      %squeeze3A_67 = vector.extract %slice3A_66[0] : i32 from vector<1xi32>
      %add3A_68 = arith.constant 3 : i32
      %add3A_69 = arith.addi %multiple_of3A, %add3A_68 : i32
      %dma_start3A_70 = arith.constant 0 : i32
      %dma_start3A_71 = tpu.memref_slice %arg9[%add3A_69, %dma_start3A_70] : memref<512x64xf32, #tpu.memory_space<vmem>> -> memref<1x64xf32, #tpu.memory_space<vmem>>
      %dma_start3A_72 = arith.constant 0 : i32
      %dma_start3A_73 = tpu.memref_slice %arg5[%squeeze3A_67, %dma_start3A_72] : memref<1000x64xf32, #tpu.memory_space<hbm>> -> memref<1x64xf32, #tpu.memory_space<hbm>>
      %dma_start3A_74 = arith.constant 0 : i32
      %dma_start3A_75 = tpu.memref_slice %arg9[%add3A_69, %dma_start3A_74] : memref<512x64xf32, #tpu.memory_space<vmem>> -> memref<1x64xf32, #tpu.memory_space<vmem>>
      %dma_start3A_76 = arith.constant 0 : i32
      %dma_start3A_77 = tpu.memref_slice %arg5[%squeeze3A_67, %dma_start3A_76] : memref<1000x64xf32, #tpu.memory_space<hbm>> -> memref<1x64xf32, #tpu.memory_space<hbm>>
      tpu.enqueue_dma source(%dma_start3A_77 : memref<1x64xf32, #tpu.memory_space<hbm>>) target(%dma_start3A_75 : memref<1x64xf32, #tpu.memory_space<vmem>>) target_semaphore(%arg10 : memref<!tpu.dma_semaphore, #tpu.memory_space<semaphore_mem>>)
      %slice3A_78 = vector.extract_strided_slice %get3A_32 {offsets = [4], sizes = [1], strides = [1]} : vector<16xi32> to vector<1xi32>
      %squeeze3A_79 = vector.extract %slice3A_78[0] : i32 from vector<1xi32>
      %add3A_80 = arith.constant 4 : i32
      %add3A_81 = arith.addi %multiple_of3A, %add3A_80 : i32
      %dma_start3A_82 = arith.constant 0 : i32
      %dma_start3A_83 = tpu.memref_slice %arg9[%add3A_81, %dma_start3A_82] : memref<512x64xf32, #tpu.memory_space<vmem>> -> memref<1x64xf32, #tpu.memory_space<vmem>>
      %dma_start3A_84 = arith.constant 0 : i32
      %dma_start3A_85 = tpu.memref_slice %arg5[%squeeze3A_79, %dma_start3A_84] : memref<1000x64xf32, #tpu.memory_space<hbm>> -> memref<1x64xf32, #tpu.memory_space<hbm>>
      %dma_start3A_86 = arith.constant 0 : i32
      %dma_start3A_87 = tpu.memref_slice %arg9[%add3A_81, %dma_start3A_86] : memref<512x64xf32, #tpu.memory_space<vmem>> -> memref<1x64xf32, #tpu.memory_space<vmem>>
      %dma_start3A_88 = arith.constant 0 : i32
      %dma_start3A_89 = tpu.memref_slice %arg5[%squeeze3A_79, %dma_start3A_88] : memref<1000x64xf32, #tpu.memory_space<hbm>> -> memref<1x64xf32, #tpu.memory_space<hbm>>
      tpu.enqueue_dma source(%dma_start3A_89 : memref<1x64xf32, #tpu.memory_space<hbm>>) target(%dma_start3A_87 : memref<1x64xf32, #tpu.memory_space<vmem>>) target_semaphore(%arg10 : memref<!tpu.dma_semaphore, #tpu.memory_space<semaphore_mem>>)
      %slice3A_90 = vector.extract_strided_slice %get3A_32 {offsets = [5], sizes = [1], strides = [1]} : vector<16xi32> to vector<1xi32>
      %squeeze3A_91 = vector.extract %slice3A_90[0] : i32 from vector<1xi32>
      %add3A_92 = arith.constant 5 : i32
      %add3A_93 = arith.addi %multiple_of3A, %add3A_92 : i32
      %dma_start3A_94 = arith.constant 0 : i32
      %dma_start3A_95 = tpu.memref_slice %arg9[%add3A_93, %dma_start3A_94] : memref<512x64xf32, #tpu.memory_space<vmem>> -> memref<1x64xf32, #tpu.memory_space<vmem>>
      %dma_start3A_96 = arith.constant 0 : i32
      %dma_start3A_97 = tpu.memref_slice %arg5[%squeeze3A_91, %dma_start3A_96] : memref<1000x64xf32, #tpu.memory_space<hbm>> -> memref<1x64xf32, #tpu.memory_space<hbm>>
      %dma_start3A_98 = arith.constant 0 : i32
      %dma_start3A_99 = tpu.memref_slice %arg9[%add3A_93, %dma_start3A_98] : memref<512x64xf32, #tpu.memory_space<vmem>> -> memref<1x64xf32, #tpu.memory_space<vmem>>
      %dma_start3A_100 = arith.constant 0 : i32
      %dma_start3A_101 = tpu.memref_slice %arg5[%squeeze3A_91, %dma_start3A_100] : memref<1000x64xf32, #tpu.memory_space<hbm>> -> memref<1x64xf32, #tpu.memory_space<hbm>>
      tpu.enqueue_dma source(%dma_start3A_101 : memref<1x64xf32, #tpu.memory_space<hbm>>) target(%dma_start3A_99 : memref<1x64xf32, #tpu.memory_space<vmem>>) target_semaphore(%arg10 : memref<!tpu.dma_semaphore, #tpu.memory_space<semaphore_mem>>)
      %slice3A_102 = vector.extract_strided_slice %get3A_32 {offsets = [6], sizes = [1], strides = [1]} : vector<16xi32> to vector<1xi32>
      %squeeze3A_103 = vector.extract %slice3A_102[0] : i32 from vector<1xi32>
      %add3A_104 = arith.constant 6 : i32
      %add3A_105 = arith.addi %multiple_of3A, %add3A_104 : i32
      %dma_start3A_106 = arith.constant 0 : i32
      %dma_start3A_107 = tpu.memref_slice %arg9[%add3A_105, %dma_start3A_106] : memref<512x64xf32, #tpu.memory_space<vmem>> -> memref<1x64xf32, #tpu.memory_space<vmem>>
      %dma_start3A_108 = arith.constant 0 : i32
      %dma_start3A_109 = tpu.memref_slice %arg5[%squeeze3A_103, %dma_start3A_108] : memref<1000x64xf32, #tpu.memory_space<hbm>> -> memref<1x64xf32, #tpu.memory_space<hbm>>
      %dma_start3A_110 = arith.constant 0 : i32
      %dma_start3A_111 = tpu.memref_slice %arg9[%add3A_105, %dma_start3A_110] : memref<512x64xf32, #tpu.memory_space<vmem>> -> memref<1x64xf32, #tpu.memory_space<vmem>>
      %dma_start3A_112 = arith.constant 0 : i32
      %dma_start3A_113 = tpu.memref_slice %arg5[%squeeze3A_103, %dma_start3A_112] : memref<1000x64xf32, #tpu.memory_space<hbm>> -> memref<1x64xf32, #tpu.memory_space<hbm>>
      tpu.enqueue_dma source(%dma_start3A_113 : memref<1x64xf32, #tpu.memory_space<hbm>>) target(%dma_start3A_111 : memref<1x64xf32, #tpu.memory_space<vmem>>) target_semaphore(%arg10 : memref<!tpu.dma_semaphore, #tpu.memory_space<semaphore_mem>>)
      %slice3A_114 = vector.extract_strided_slice %get3A_32 {offsets = [7], sizes = [1], strides = [1]} : vector<16xi32> to vector<1xi32>
      %squeeze3A_115 = vector.extract %slice3A_114[0] : i32 from vector<1xi32>
      %add3A_116 = arith.constant 7 : i32
      %add3A_117 = arith.addi %multiple_of3A, %add3A_116 : i32
      %dma_start3A_118 = arith.constant 0 : i32
      %dma_start3A_119 = tpu.memref_slice %arg9[%add3A_117, %dma_start3A_118] : memref<512x64xf32, #tpu.memory_space<vmem>> -> memref<1x64xf32, #tpu.memory_space<vmem>>
      %dma_start3A_120 = arith.constant 0 : i32
      %dma_start3A_121 = tpu.memref_slice %arg5[%squeeze3A_115, %dma_start3A_120] : memref<1000x64xf32, #tpu.memory_space<hbm>> -> memref<1x64xf32, #tpu.memory_space<hbm>>
      %dma_start3A_122 = arith.constant 0 : i32
      %dma_start3A_123 = tpu.memref_slice %arg9[%add3A_117, %dma_start3A_122] : memref<512x64xf32, #tpu.memory_space<vmem>> -> memref<1x64xf32, #tpu.memory_space<vmem>>
      %dma_start3A_124 = arith.constant 0 : i32
      %dma_start3A_125 = tpu.memref_slice %arg5[%squeeze3A_115, %dma_start3A_124] : memref<1000x64xf32, #tpu.memory_space<hbm>> -> memref<1x64xf32, #tpu.memory_space<hbm>>
      tpu.enqueue_dma source(%dma_start3A_125 : memref<1x64xf32, #tpu.memory_space<hbm>>) target(%dma_start3A_123 : memref<1x64xf32, #tpu.memory_space<vmem>>) target_semaphore(%arg10 : memref<!tpu.dma_semaphore, #tpu.memory_space<semaphore_mem>>)
      %slice3A_126 = vector.extract_strided_slice %get3A_32 {offsets = [8], sizes = [1], strides = [1]} : vector<16xi32> to vector<1xi32>
      %squeeze3A_127 = vector.extract %slice3A_126[0] : i32 from vector<1xi32>
      %add3A_128 = arith.constant 8 : i32
      %add3A_129 = arith.addi %multiple_of3A, %add3A_128 : i32
      %dma_start3A_130 = arith.constant 0 : i32
      %dma_start3A_131 = tpu.memref_slice %arg9[%add3A_129, %dma_start3A_130] : memref<512x64xf32, #tpu.memory_space<vmem>> -> memref<1x64xf32, #tpu.memory_space<vmem>>
      %dma_start3A_132 = arith.constant 0 : i32
      %dma_start3A_133 = tpu.memref_slice %arg5[%squeeze3A_127, %dma_start3A_132] : memref<1000x64xf32, #tpu.memory_space<hbm>> -> memref<1x64xf32, #tpu.memory_space<hbm>>
      %dma_start3A_134 = arith.constant 0 : i32
      %dma_start3A_135 = tpu.memref_slice %arg9[%add3A_129, %dma_start3A_134] : memref<512x64xf32, #tpu.memory_space<vmem>> -> memref<1x64xf32, #tpu.memory_space<vmem>>
      %dma_start3A_136 = arith.constant 0 : i32
      %dma_start3A_137 = tpu.memref_slice %arg5[%squeeze3A_127, %dma_start3A_136] : memref<1000x64xf32, #tpu.memory_space<hbm>> -> memref<1x64xf32, #tpu.memory_space<hbm>>
      tpu.enqueue_dma source(%dma_start3A_137 : memref<1x64xf32, #tpu.memory_space<hbm>>) target(%dma_start3A_135 : memref<1x64xf32, #tpu.memory_space<vmem>>) target_semaphore(%arg10 : memref<!tpu.dma_semaphore, #tpu.memory_space<semaphore_mem>>)
      %slice3A_138 = vector.extract_strided_slice %get3A_32 {offsets = [9], sizes = [1], strides = [1]} : vector<16xi32> to vector<1xi32>
      %squeeze3A_139 = vector.extract %slice3A_138[0] : i32 from vector<1xi32>
      %add3A_140 = arith.constant 9 : i32
      %add3A_141 = arith.addi %multiple_of3A, %add3A_140 : i32
      %dma_start3A_142 = arith.constant 0 : i32
      %dma_start3A_143 = tpu.memref_slice %arg9[%add3A_141, %dma_start3A_142] : memref<512x64xf32, #tpu.memory_space<vmem>> -> memref<1x64xf32, #tpu.memory_space<vmem>>
      %dma_start3A_144 = arith.constant 0 : i32
      %dma_start3A_145 = tpu.memref_slice %arg5[%squeeze3A_139, %dma_start3A_144] : memref<1000x64xf32, #tpu.memory_space<hbm>> -> memref<1x64xf32, #tpu.memory_space<hbm>>
      %dma_start3A_146 = arith.constant 0 : i32
      %dma_start3A_147 = tpu.memref_slice %arg9[%add3A_141, %dma_start3A_146] : memref<512x64xf32, #tpu.memory_space<vmem>> -> memref<1x64xf32, #tpu.memory_space<vmem>>
      %dma_start3A_148 = arith.constant 0 : i32
      %dma_start3A_149 = tpu.memref_slice %arg5[%squeeze3A_139, %dma_start3A_148] : memref<1000x64xf32, #tpu.memory_space<hbm>> -> memref<1x64xf32, #tpu.memory_space<hbm>>
      tpu.enqueue_dma source(%dma_start3A_149 : memref<1x64xf32, #tpu.memory_space<hbm>>) target(%dma_start3A_147 : memref<1x64xf32, #tpu.memory_space<vmem>>) target_semaphore(%arg10 : memref<!tpu.dma_semaphore, #tpu.memory_space<semaphore_mem>>)
      %slice3A_150 = vector.extract_strided_slice %get3A_32 {offsets = [10], sizes = [1], strides = [1]} : vector<16xi32> to vector<1xi32>
      %squeeze3A_151 = vector.extract %slice3A_150[0] : i32 from vector<1xi32>
      %add3A_152 = arith.constant 10 : i32
      %add3A_153 = arith.addi %multiple_of3A, %add3A_152 : i32
      %dma_start3A_154 = arith.constant 0 : i32
      %dma_start3A_155 = tpu.memref_slice %arg9[%add3A_153, %dma_start3A_154] : memref<512x64xf32, #tpu.memory_space<vmem>> -> memref<1x64xf32, #tpu.memory_space<vmem>>
      %dma_start3A_156 = arith.constant 0 : i32
      %dma_start3A_157 = tpu.memref_slice %arg5[%squeeze3A_151, %dma_start3A_156] : memref<1000x64xf32, #tpu.memory_space<hbm>> -> memref<1x64xf32, #tpu.memory_space<hbm>>
      %dma_start3A_158 = arith.constant 0 : i32
      %dma_start3A_159 = tpu.memref_slice %arg9[%add3A_153, %dma_start3A_158] : memref<512x64xf32, #tpu.memory_space<vmem>> -> memref<1x64xf32, #tpu.memory_space<vmem>>
      %dma_start3A_160 = arith.constant 0 : i32
      %dma_start3A_161 = tpu.memref_slice %arg5[%squeeze3A_151, %dma_start3A_160] : memref<1000x64xf32, #tpu.memory_space<hbm>> -> memref<1x64xf32, #tpu.memory_space<hbm>>
      tpu.enqueue_dma source(%dma_start3A_161 : memref<1x64xf32, #tpu.memory_space<hbm>>) target(%dma_start3A_159 : memref<1x64xf32, #tpu.memory_space<vmem>>) target_semaphore(%arg10 : memref<!tpu.dma_semaphore, #tpu.memory_space<semaphore_mem>>)
      %slice3A_162 = vector.extract_strided_slice %get3A_32 {offsets = [11], sizes = [1], strides = [1]} : vector<16xi32> to vector<1xi32>
      %squeeze3A_163 = vector.extract %slice3A_162[0] : i32 from vector<1xi32>
      %add3A_164 = arith.constant 11 : i32
      %add3A_165 = arith.addi %multiple_of3A, %add3A_164 : i32
      %dma_start3A_166 = arith.constant 0 : i32
      %dma_start3A_167 = tpu.memref_slice %arg9[%add3A_165, %dma_start3A_166] : memref<512x64xf32, #tpu.memory_space<vmem>> -> memref<1x64xf32, #tpu.memory_space<vmem>>
      %dma_start3A_168 = arith.constant 0 : i32
      %dma_start3A_169 = tpu.memref_slice %arg5[%squeeze3A_163, %dma_start3A_168] : memref<1000x64xf32, #tpu.memory_space<hbm>> -> memref<1x64xf32, #tpu.memory_space<hbm>>
      %dma_start3A_170 = arith.constant 0 : i32
      %dma_start3A_171 = tpu.memref_slice %arg9[%add3A_165, %dma_start3A_170] : memref<512x64xf32, #tpu.memory_space<vmem>> -> memref<1x64xf32, #tpu.memory_space<vmem>>
      %dma_start3A_172 = arith.constant 0 : i32
      %dma_start3A_173 = tpu.memref_slice %arg5[%squeeze3A_163, %dma_start3A_172] : memref<1000x64xf32, #tpu.memory_space<hbm>> -> memref<1x64xf32, #tpu.memory_space<hbm>>
      tpu.enqueue_dma source(%dma_start3A_173 : memref<1x64xf32, #tpu.memory_space<hbm>>) target(%dma_start3A_171 : memref<1x64xf32, #tpu.memory_space<vmem>>) target_semaphore(%arg10 : memref<!tpu.dma_semaphore, #tpu.memory_space<semaphore_mem>>)
      %slice3A_174 = vector.extract_strided_slice %get3A_32 {offsets = [12], sizes = [1], strides = [1]} : vector<16xi32> to vector<1xi32>
      %squeeze3A_175 = vector.extract %slice3A_174[0] : i32 from vector<1xi32>
      %add3A_176 = arith.constant 12 : i32
      %add3A_177 = arith.addi %multiple_of3A, %add3A_176 : i32
      %dma_start3A_178 = arith.constant 0 : i32
      %dma_start3A_179 = tpu.memref_slice %arg9[%add3A_177, %dma_start3A_178] : memref<512x64xf32, #tpu.memory_space<vmem>> -> memref<1x64xf32, #tpu.memory_space<vmem>>
      %dma_start3A_180 = arith.constant 0 : i32
      %dma_start3A_181 = tpu.memref_slice %arg5[%squeeze3A_175, %dma_start3A_180] : memref<1000x64xf32, #tpu.memory_space<hbm>> -> memref<1x64xf32, #tpu.memory_space<hbm>>
      %dma_start3A_182 = arith.constant 0 : i32
      %dma_start3A_183 = tpu.memref_slice %arg9[%add3A_177, %dma_start3A_182] : memref<512x64xf32, #tpu.memory_space<vmem>> -> memref<1x64xf32, #tpu.memory_space<vmem>>
      %dma_start3A_184 = arith.constant 0 : i32
      %dma_start3A_185 = tpu.memref_slice %arg5[%squeeze3A_175, %dma_start3A_184] : memref<1000x64xf32, #tpu.memory_space<hbm>> -> memref<1x64xf32, #tpu.memory_space<hbm>>
      tpu.enqueue_dma source(%dma_start3A_185 : memref<1x64xf32, #tpu.memory_space<hbm>>) target(%dma_start3A_183 : memref<1x64xf32, #tpu.memory_space<vmem>>) target_semaphore(%arg10 : memref<!tpu.dma_semaphore, #tpu.memory_space<semaphore_mem>>)
      %slice3A_186 = vector.extract_strided_slice %get3A_32 {offsets = [13], sizes = [1], strides = [1]} : vector<16xi32> to vector<1xi32>
      %squeeze3A_187 = vector.extract %slice3A_186[0] : i32 from vector<1xi32>
      %add3A_188 = arith.constant 13 : i32
      %add3A_189 = arith.addi %multiple_of3A, %add3A_188 : i32
      %dma_start3A_190 = arith.constant 0 : i32
      %dma_start3A_191 = tpu.memref_slice %arg9[%add3A_189, %dma_start3A_190] : memref<512x64xf32, #tpu.memory_space<vmem>> -> memref<1x64xf32, #tpu.memory_space<vmem>>
      %dma_start3A_192 = arith.constant 0 : i32
      %dma_start3A_193 = tpu.memref_slice %arg5[%squeeze3A_187, %dma_start3A_192] : memref<1000x64xf32, #tpu.memory_space<hbm>> -> memref<1x64xf32, #tpu.memory_space<hbm>>
      %dma_start3A_194 = arith.constant 0 : i32
      %dma_start3A_195 = tpu.memref_slice %arg9[%add3A_189, %dma_start3A_194] : memref<512x64xf32, #tpu.memory_space<vmem>> -> memref<1x64xf32, #tpu.memory_space<vmem>>
      %dma_start3A_196 = arith.constant 0 : i32
      %dma_start3A_197 = tpu.memref_slice %arg5[%squeeze3A_187, %dma_start3A_196] : memref<1000x64xf32, #tpu.memory_space<hbm>> -> memref<1x64xf32, #tpu.memory_space<hbm>>
      tpu.enqueue_dma source(%dma_start3A_197 : memref<1x64xf32, #tpu.memory_space<hbm>>) target(%dma_start3A_195 : memref<1x64xf32, #tpu.memory_space<vmem>>) target_semaphore(%arg10 : memref<!tpu.dma_semaphore, #tpu.memory_space<semaphore_mem>>)
      %slice3A_198 = vector.extract_strided_slice %get3A_32 {offsets = [14], sizes = [1], strides = [1]} : vector<16xi32> to vector<1xi32>
      %squeeze3A_199 = vector.extract %slice3A_198[0] : i32 from vector<1xi32>
      %add3A_200 = arith.constant 14 : i32
      %add3A_201 = arith.addi %multiple_of3A, %add3A_200 : i32
      %dma_start3A_202 = arith.constant 0 : i32
      %dma_start3A_203 = tpu.memref_slice %arg9[%add3A_201, %dma_start3A_202] : memref<512x64xf32, #tpu.memory_space<vmem>> -> memref<1x64xf32, #tpu.memory_space<vmem>>
      %dma_start3A_204 = arith.constant 0 : i32
      %dma_start3A_205 = tpu.memref_slice %arg5[%squeeze3A_199, %dma_start3A_204] : memref<1000x64xf32, #tpu.memory_space<hbm>> -> memref<1x64xf32, #tpu.memory_space<hbm>>
      %dma_start3A_206 = arith.constant 0 : i32
      %dma_start3A_207 = tpu.memref_slice %arg9[%add3A_201, %dma_start3A_206] : memref<512x64xf32, #tpu.memory_space<vmem>> -> memref<1x64xf32, #tpu.memory_space<vmem>>
      %dma_start3A_208 = arith.constant 0 : i32
      %dma_start3A_209 = tpu.memref_slice %arg5[%squeeze3A_199, %dma_start3A_208] : memref<1000x64xf32, #tpu.memory_space<hbm>> -> memref<1x64xf32, #tpu.memory_space<hbm>>
      tpu.enqueue_dma source(%dma_start3A_209 : memref<1x64xf32, #tpu.memory_space<hbm>>) target(%dma_start3A_207 : memref<1x64xf32, #tpu.memory_space<vmem>>) target_semaphore(%arg10 : memref<!tpu.dma_semaphore, #tpu.memory_space<semaphore_mem>>)
      %slice3A_210 = vector.extract_strided_slice %get3A_32 {offsets = [15], sizes = [1], strides = [1]} : vector<16xi32> to vector<1xi32>
      %squeeze3A_211 = vector.extract %slice3A_210[0] : i32 from vector<1xi32>
      %add3A_212 = arith.constant 15 : i32
      %add3A_213 = arith.addi %multiple_of3A, %add3A_212 : i32
      %dma_start3A_214 = arith.constant 0 : i32
      %dma_start3A_215 = tpu.memref_slice %arg9[%add3A_213, %dma_start3A_214] : memref<512x64xf32, #tpu.memory_space<vmem>> -> memref<1x64xf32, #tpu.memory_space<vmem>>
      %dma_start3A_216 = arith.constant 0 : i32
      %dma_start3A_217 = tpu.memref_slice %arg5[%squeeze3A_211, %dma_start3A_216] : memref<1000x64xf32, #tpu.memory_space<hbm>> -> memref<1x64xf32, #tpu.memory_space<hbm>>
      %dma_start3A_218 = arith.constant 0 : i32
      %dma_start3A_219 = tpu.memref_slice %arg9[%add3A_213, %dma_start3A_218] : memref<512x64xf32, #tpu.memory_space<vmem>> -> memref<1x64xf32, #tpu.memory_space<vmem>>
      %dma_start3A_220 = arith.constant 0 : i32
      %dma_start3A_221 = tpu.memref_slice %arg5[%squeeze3A_211, %dma_start3A_220] : memref<1000x64xf32, #tpu.memory_space<hbm>> -> memref<1x64xf32, #tpu.memory_space<hbm>>
      tpu.enqueue_dma source(%dma_start3A_221 : memref<1x64xf32, #tpu.memory_space<hbm>>) target(%dma_start3A_219 : memref<1x64xf32, #tpu.memory_space<vmem>>) target_semaphore(%arg10 : memref<!tpu.dma_semaphore, #tpu.memory_space<semaphore_mem>>)
    }
    %scan3A_20 = arith.constant 32 : i32
    %scan3A_21 = arith.constant 0 : i32
    %scan3A_22 = arith.constant 0 : i32
    %scan3A_23 = arith.constant 512 : i32
    %scan3A_24 = arith.addi %scan3A_22, %scan3A_23 : i32
    %scan3A_25 = arith.constant 1 : i32
    scf.for %scan3A_28 = %scan3A_22 to %scan3A_24 step %scan3A_25  : i32 {
      %dma_wait3A = arith.constant 0 : i32
      %dma_wait3A_29 = arith.constant 0 : i32
      %dma_wait3A_30 = tpu.memref_slice %arg9[%dma_wait3A, %dma_wait3A_29] : memref<512x64xf32, #tpu.memory_space<vmem>> -> memref<1x64xf32, #tpu.memory_space<vmem>>
      %dma_wait3A_31 = arith.constant 0 : i32
      %dma_wait3A_32 = arith.constant 0 : i32
      %dma_wait3A_33 = tpu.memref_slice %arg5[%dma_wait3A_31, %dma_wait3A_32] : memref<1000x64xf32, #tpu.memory_space<hbm>> -> memref<1x64xf32, #tpu.memory_space<hbm>>
      %dma_wait3A_34 = arith.constant 0 : i32
      %dma_wait3A_35 = arith.constant 0 : i32
      %dma_wait3A_36 = tpu.memref_slice %arg9[%dma_wait3A_34, %dma_wait3A_35] : memref<512x64xf32, #tpu.memory_space<vmem>> -> memref<1x64xf32, #tpu.memory_space<vmem>>
      %dma_wait3A_37 = arith.constant 0 : i32
      %dma_wait3A_38 = arith.constant 0 : i32
      %dma_wait3A_39 = tpu.memref_slice %arg5[%dma_wait3A_37, %dma_wait3A_38] : memref<1000x64xf32, #tpu.memory_space<hbm>> -> memref<1x64xf32, #tpu.memory_space<hbm>>
      tpu.wait_dma2 semaphore(%arg10 : memref<!tpu.dma_semaphore, #tpu.memory_space<semaphore_mem>>) src(%dma_wait3A_39 : memref<1x64xf32, #tpu.memory_space<hbm>>) dst(%dma_wait3A_36 : memref<1x64xf32, #tpu.memory_space<vmem>>)
    }
    %scan3A_26 = arith.constant 512 : i32
    "tpu.region"() ({
      %run_scoped3A = tpu.sem_alloc : memref<!tpu.dma_semaphore, #tpu.memory_space<semaphore_mem>>
      %dma_start3A = arith.constant 0 : i32
      %dma_start3A_28 = tpu.memref_slice %arg7[%add3A_14, %dma_start3A] : memref<16384x64xf32, #tpu.memory_space<hbm>> -> memref<512x64xf32, #tpu.memory_space<hbm>>
      %dma_start3A_29 = arith.constant 0 : i32
      %dma_start3A_30 = tpu.memref_slice %arg7[%add3A_14, %dma_start3A_29] : memref<16384x64xf32, #tpu.memory_space<hbm>> -> memref<512x64xf32, #tpu.memory_space<hbm>>
      tpu.enqueue_dma source(%arg9 : memref<512x64xf32, #tpu.memory_space<vmem>>) target(%dma_start3A_30 : memref<512x64xf32, #tpu.memory_space<hbm>>) target_semaphore(%run_scoped3A : memref<!tpu.dma_semaphore, #tpu.memory_space<semaphore_mem>>)
      %dma_wait3A = arith.constant 0 : i32
      %dma_wait3A_31 = tpu.memref_slice %arg7[%add3A_14, %dma_wait3A] : memref<16384x64xf32, #tpu.memory_space<hbm>> -> memref<512x64xf32, #tpu.memory_space<hbm>>
      %dma_wait3A_32 = arith.constant 0 : i32
      %dma_wait3A_33 = tpu.memref_slice %arg7[%add3A_14, %dma_wait3A_32] : memref<16384x64xf32, #tpu.memory_space<hbm>> -> memref<512x64xf32, #tpu.memory_space<hbm>>
      tpu.wait_dma2 semaphore(%run_scoped3A : memref<!tpu.dma_semaphore, #tpu.memory_space<semaphore_mem>>) src(%arg9 : memref<512x64xf32, #tpu.memory_space<vmem>>) dst(%dma_wait3A_33 : memref<512x64xf32, #tpu.memory_space<hbm>>)
      tpu.yield
    }) : () -> ()
    %scan3A_27 = arith.constant 1 : i32
    return
  }
}

module attributes {stable_mosaic.version = 14 : i64} {
  func.func @_dense_body(%arg0: i32, %arg1: memref<2048x64xf32, #tpu.memory_space<vmem>>, %arg2: memref<2048x64xf32, #tpu.memory_space<vmem>>, %arg3: memref<2048x64xf32, #tpu.memory_space<vmem>>, %arg4: memref<2048x64xf32, #tpu.memory_space<vmem>>, %arg5: memref<2048x64xf32, #tpu.memory_space<vmem>>, %arg6: memref<1x1xf32, #tpu.memory_space<smem>>) attributes {dimension_semantics = [#tpu.dimension_semantics<arbitrary>], iteration_bounds = array<i64: 8>, scalar_prefetch = 0 : i64, scratch_operands = 0 : i64, tpu.core_type = #tpu.core_type<tc>, window_params = [{transform_indices = @transform_0, window_bounds = array<i64: 2048, 64>}, {transform_indices = @transform_1, window_bounds = array<i64: 2048, 64>}, {transform_indices = @transform_2, window_bounds = array<i64: 2048, 64>}, {transform_indices = @transform_3, window_bounds = array<i64: 2048, 64>}, {transform_indices = @transform_4, window_bounds = array<i64: 2048, 64>}, {transform_indices = @transform_5, window_bounds = array<i64: 1, 1>}]} {
    %get3A = arith.constant 0 : index
    %get3A_0 = arith.constant 0 : index
    %get3A_1 = vector.load %arg1[%get3A, %get3A_0] : memref<2048x64xf32, #tpu.memory_space<vmem>>, vector<2048x64xf32>
    %mul3A = arith.mulf %get3A_1, %get3A_1 : vector<2048x64xf32>
    %reduce_sum3A = arith.constant dense<0.000000e+00> : vector<2048xf32>
    %reduce_sum3A_2 = vector.multi_reduction <add>, %mul3A, %reduce_sum3A [1] : vector<2048x64xf32> to vector<2048xf32>
    %broadcast_in_dim3A = vector.shape_cast %reduce_sum3A_2 : vector<2048xf32> to vector<2048x1xf32>
    %sqrt3A = math.sqrt %broadcast_in_dim3A : vector<2048x1xf32>
    %max3A = arith.constant 9.99999996E-13 : f32
    %max3A_3 = vector.broadcast %max3A : f32 to vector<2048x1xf32>
    %max3A_4 = arith.maximumf %sqrt3A, %max3A_3 : vector<2048x1xf32>
    %div3A = vector.broadcast %max3A_4 : vector<2048x1xf32> to vector<2048x64xf32>
    %div3A_5 = arith.divf %get3A_1, %div3A : vector<2048x64xf32>
    %get3A_6 = arith.constant 0 : index
    %get3A_7 = arith.constant 0 : index
    %get3A_8 = vector.load %arg2[%get3A_6, %get3A_7] : memref<2048x64xf32, #tpu.memory_space<vmem>>, vector<2048x64xf32>
    %mul3A_9 = arith.mulf %get3A_8, %get3A_8 : vector<2048x64xf32>
    %reduce_sum3A_10 = arith.constant dense<0.000000e+00> : vector<2048xf32>
    %reduce_sum3A_11 = vector.multi_reduction <add>, %mul3A_9, %reduce_sum3A_10 [1] : vector<2048x64xf32> to vector<2048xf32>
    %broadcast_in_dim3A_12 = vector.shape_cast %reduce_sum3A_11 : vector<2048xf32> to vector<2048x1xf32>
    %sqrt3A_13 = math.sqrt %broadcast_in_dim3A_12 : vector<2048x1xf32>
    %max3A_14 = arith.constant 9.99999996E-13 : f32
    %max3A_15 = vector.broadcast %max3A_14 : f32 to vector<2048x1xf32>
    %max3A_16 = arith.maximumf %sqrt3A_13, %max3A_15 : vector<2048x1xf32>
    %div3A_17 = vector.broadcast %max3A_16 : vector<2048x1xf32> to vector<2048x64xf32>
    %div3A_18 = arith.divf %get3A_8, %div3A_17 : vector<2048x64xf32>
    %get3A_19 = arith.constant 0 : index
    %get3A_20 = arith.constant 0 : index
    %get3A_21 = vector.load %arg3[%get3A_19, %get3A_20] : memref<2048x64xf32, #tpu.memory_space<vmem>>, vector<2048x64xf32>
    %mul3A_22 = arith.mulf %get3A_21, %get3A_21 : vector<2048x64xf32>
    %reduce_sum3A_23 = arith.constant dense<0.000000e+00> : vector<2048xf32>
    %reduce_sum3A_24 = vector.multi_reduction <add>, %mul3A_22, %reduce_sum3A_23 [1] : vector<2048x64xf32> to vector<2048xf32>
    %broadcast_in_dim3A_25 = vector.shape_cast %reduce_sum3A_24 : vector<2048xf32> to vector<2048x1xf32>
    %sqrt3A_26 = math.sqrt %broadcast_in_dim3A_25 : vector<2048x1xf32>
    %max3A_27 = arith.constant 9.99999996E-13 : f32
    %max3A_28 = vector.broadcast %max3A_27 : f32 to vector<2048x1xf32>
    %max3A_29 = arith.maximumf %sqrt3A_26, %max3A_28 : vector<2048x1xf32>
    %div3A_30 = vector.broadcast %max3A_29 : vector<2048x1xf32> to vector<2048x64xf32>
    %div3A_31 = arith.divf %get3A_21, %div3A_30 : vector<2048x64xf32>
    %get3A_32 = arith.constant 0 : index
    %get3A_33 = arith.constant 0 : index
    %get3A_34 = vector.load %arg4[%get3A_32, %get3A_33] : memref<2048x64xf32, #tpu.memory_space<vmem>>, vector<2048x64xf32>
    %mul3A_35 = arith.mulf %get3A_34, %get3A_34 : vector<2048x64xf32>
    %reduce_sum3A_36 = arith.constant dense<0.000000e+00> : vector<2048xf32>
    %reduce_sum3A_37 = vector.multi_reduction <add>, %mul3A_35, %reduce_sum3A_36 [1] : vector<2048x64xf32> to vector<2048xf32>
    %broadcast_in_dim3A_38 = vector.shape_cast %reduce_sum3A_37 : vector<2048xf32> to vector<2048x1xf32>
    %sqrt3A_39 = math.sqrt %broadcast_in_dim3A_38 : vector<2048x1xf32>
    %max3A_40 = arith.constant 9.99999996E-13 : f32
    %max3A_41 = vector.broadcast %max3A_40 : f32 to vector<2048x1xf32>
    %max3A_42 = arith.maximumf %sqrt3A_39, %max3A_41 : vector<2048x1xf32>
    %div3A_43 = vector.broadcast %max3A_42 : vector<2048x1xf32> to vector<2048x64xf32>
    %div3A_44 = arith.divf %get3A_34, %div3A_43 : vector<2048x64xf32>
    %get3A_45 = arith.constant 0 : index
    %get3A_46 = arith.constant 0 : index
    %get3A_47 = vector.load %arg5[%get3A_45, %get3A_46] : memref<2048x64xf32, #tpu.memory_space<vmem>>, vector<2048x64xf32>
    %mul3A_48 = arith.mulf %get3A_47, %get3A_47 : vector<2048x64xf32>
    %reduce_sum3A_49 = arith.constant dense<0.000000e+00> : vector<2048xf32>
    %reduce_sum3A_50 = vector.multi_reduction <add>, %mul3A_48, %reduce_sum3A_49 [1] : vector<2048x64xf32> to vector<2048xf32>
    %broadcast_in_dim3A_51 = vector.shape_cast %reduce_sum3A_50 : vector<2048xf32> to vector<2048x1xf32>
    %sqrt3A_52 = math.sqrt %broadcast_in_dim3A_51 : vector<2048x1xf32>
    %max3A_53 = arith.constant 9.99999996E-13 : f32
    %max3A_54 = vector.broadcast %max3A_53 : f32 to vector<2048x1xf32>
    %max3A_55 = arith.maximumf %sqrt3A_52, %max3A_54 : vector<2048x1xf32>
    %div3A_56 = vector.broadcast %max3A_55 : vector<2048x1xf32> to vector<2048x64xf32>
    %div3A_57 = arith.divf %get3A_47, %div3A_56 : vector<2048x64xf32>
    %add3A = arith.addf %div3A_5, %div3A_57 : vector<2048x64xf32>
    %sub3A = arith.subf %add3A, %div3A_18 : vector<2048x64xf32>
    %integer_pow3A = arith.mulf %sub3A, %sub3A : vector<2048x64xf32>
    %reduce_sum3A_58 = arith.constant dense<0.000000e+00> : vector<2048xf32>
    %reduce_sum3A_59 = vector.multi_reduction <add>, %integer_pow3A, %reduce_sum3A_58 [1] : vector<2048x64xf32> to vector<2048xf32>
    %sqrt3A_60 = math.sqrt %reduce_sum3A_59 : vector<2048xf32>
    %add3A_61 = arith.addf %div3A_31, %div3A_57 : vector<2048x64xf32>
    %sub3A_62 = arith.subf %add3A_61, %div3A_44 : vector<2048x64xf32>
    %integer_pow3A_63 = arith.mulf %sub3A_62, %sub3A_62 : vector<2048x64xf32>
    %reduce_sum3A_64 = arith.constant dense<0.000000e+00> : vector<2048xf32>
    %reduce_sum3A_65 = vector.multi_reduction <add>, %integer_pow3A_63, %reduce_sum3A_64 [1] : vector<2048x64xf32> to vector<2048xf32>
    %sqrt3A_66 = math.sqrt %reduce_sum3A_65 : vector<2048xf32>
    %add3A_67 = arith.constant 1.000000e+00 : f32
    %add3A_68 = vector.broadcast %add3A_67 : f32 to vector<2048xf32>
    %add3A_69 = arith.addf %add3A_68, %sqrt3A_60 : vector<2048xf32>
    %sub3A_70 = arith.subf %add3A_69, %sqrt3A_66 : vector<2048xf32>
    %max3A_71 = arith.constant 0.000000e+00 : f32
    %max3A_72 = vector.broadcast %max3A_71 : f32 to vector<2048xf32>
    %max3A_73 = arith.maximumf %sub3A_70, %max3A_72 : vector<2048xf32>
    %reduce_sum3A_74 = vector.shape_cast %max3A_73 : vector<2048xf32> to vector<1x2048xf32>
    %reduce_sum3A_75 = arith.constant dense<0.000000e+00> : vector<1xf32>
    %reduce_sum3A_76 = vector.multi_reduction <add>, %reduce_sum3A_74, %reduce_sum3A_75 [1] : vector<1x2048xf32> to vector<1xf32>
    %reduce_sum3A_77 = vector.shape_cast %reduce_sum3A_76 : vector<1xf32> to vector<1x1xf32>
    %reduce_sum3A_78 = vector.extract %reduce_sum3A_77[0, 0] : f32 from vector<1x1xf32>
    %eq3A = arith.constant 0 : i32
    %eq3A_79 = arith.cmpi eq, %arg0, %eq3A : i32
    %convert_element_type3A = arith.extui %eq3A_79 : i1 to i32
    %cond3A = arith.constant 0 : i32
    %cond3A_80 = arith.cmpi ne, %convert_element_type3A, %cond3A : i32
    scf.if %cond3A_80 {
      %swap3A = arith.constant 0 : index
      %swap3A_90 = arith.constant 0 : index
      %swap3A_91 = memref.load %arg6[%swap3A, %swap3A_90] : memref<1x1xf32, #tpu.memory_space<smem>>
      memref.store %reduce_sum3A_78, %arg6[%swap3A, %swap3A_90] : memref<1x1xf32, #tpu.memory_space<smem>>
    } else {
    }
    %ne3A = arith.constant 0 : i32
    %ne3A_81 = arith.cmpi ne, %arg0, %ne3A : i32
    %convert_element_type3A_82 = arith.extui %ne3A_81 : i1 to i32
    %cond3A_83 = arith.constant 0 : i32
    %cond3A_84 = arith.cmpi ne, %convert_element_type3A_82, %cond3A_83 : i32
    scf.if %cond3A_84 {
      %get3A_90 = arith.constant 0 : index
      %get3A_91 = arith.constant 0 : index
      %get3A_92 = memref.load %arg6[%get3A_90, %get3A_91] : memref<1x1xf32, #tpu.memory_space<smem>>
      %add3A_93 = arith.addf %get3A_92, %reduce_sum3A_78 : f32
      %swap3A = arith.constant 0 : index
      %swap3A_94 = arith.constant 0 : index
      %swap3A_95 = memref.load %arg6[%swap3A, %swap3A_94] : memref<1x1xf32, #tpu.memory_space<smem>>
      memref.store %add3A_93, %arg6[%swap3A, %swap3A_94] : memref<1x1xf32, #tpu.memory_space<smem>>
    } else {
    }
    %eq3A_85 = arith.constant 7 : i32
    %eq3A_86 = arith.cmpi eq, %arg0, %eq3A_85 : i32
    %convert_element_type3A_87 = arith.extui %eq3A_86 : i1 to i32
    %cond3A_88 = arith.constant 0 : i32
    %cond3A_89 = arith.cmpi ne, %convert_element_type3A_87, %cond3A_88 : i32
    scf.if %cond3A_89 {
      %get3A_90 = arith.constant 0 : index
      %get3A_91 = arith.constant 0 : index
      %get3A_92 = memref.load %arg6[%get3A_90, %get3A_91] : memref<1x1xf32, #tpu.memory_space<smem>>
      %div3A_93 = arith.constant 1.638400e+04 : f32
      %div3A_94 = arith.divf %get3A_92, %div3A_93 : f32
      %swap3A = arith.constant 0 : index
      %swap3A_95 = arith.constant 0 : index
      %swap3A_96 = memref.load %arg6[%swap3A, %swap3A_95] : memref<1x1xf32, #tpu.memory_space<smem>>
      memref.store %div3A_94, %arg6[%swap3A, %swap3A_95] : memref<1x1xf32, #tpu.memory_space<smem>>
    } else {
    }
    return
  }
  func.func @transform_0(%arg0: i32) -> (i32, i32) {
    %add3A = arith.constant 0 : i32
    %add3A_0 = arith.addi %add3A, %arg0 : i32
    %c0_i32 = arith.constant 0 : i32
    %c0_i32_1 = arith.constant 0 : i32
    return %add3A_0, %c0_i32 : i32, i32
  }
  func.func @transform_1(%arg0: i32) -> (i32, i32) {
    %add3A = arith.constant 8 : i32
    %add3A_0 = arith.addi %add3A, %arg0 : i32
    %c0_i32 = arith.constant 0 : i32
    %c0_i32_1 = arith.constant 0 : i32
    return %add3A_0, %c0_i32 : i32, i32
  }
  func.func @transform_2(%arg0: i32) -> (i32, i32) {
    %add3A = arith.constant 16 : i32
    %add3A_0 = arith.addi %add3A, %arg0 : i32
    %c0_i32 = arith.constant 0 : i32
    %c0_i32_1 = arith.constant 0 : i32
    return %add3A_0, %c0_i32 : i32, i32
  }
  func.func @transform_3(%arg0: i32) -> (i32, i32) {
    %add3A = arith.constant 24 : i32
    %add3A_0 = arith.addi %add3A, %arg0 : i32
    %c0_i32 = arith.constant 0 : i32
    %c0_i32_1 = arith.constant 0 : i32
    return %add3A_0, %c0_i32 : i32, i32
  }
  func.func @transform_4(%arg0: i32) -> (i32, i32) {
    %c0_i32 = arith.constant 0 : i32
    %c0_i32_0 = arith.constant 0 : i32
    return %arg0, %c0_i32 : i32, i32
  }
  func.func @transform_5(%arg0: i32) -> (i32, i32) {
    %c0_i32 = arith.constant 0 : i32
    %c0_i32_0 = arith.constant 0 : i32
    %c0_i32_1 = arith.constant 0 : i32
    return %c0_i32, %c0_i32_0 : i32, i32
  }
}

</mosaic_0001>

<sc_bundles>
// kernel: kernel.4.cloned.1.call-start
scs
__scs_entry_jumppad:
0x0: {  	(pc) =	sbr.rel $0x88, $3  }
0x1: {  	(tag) =	ssettag $0x0;
	lr =	simm.s32 $0x1  }
0x2: {  	[smem:$0x3F9C] =	sst lr;
	_ =	strace $0xD0000000  }
0x3: {  	_ = 	snop  }
0x4: {  	_ = 	snop  }
0x5: {  	_ = 	snop  }
0x6: {  	_ = 	snop  }
0x7: {  	_ = 	snop  }
__scs_overlays_trampoline_lowered:
0x8: {  	[smem:$0x3FAB] =	sst s0  }
0x9: {  	[smem:$0x3FAC] =	sst s1  }
0xa: {  	[smem:$0x3FAD] =	sst s2  }
0xb: {  	[smem:$0x3FAE] =	sst s3  }
0xc: {  	[smem:$0x3FAF] =	sst s4  }
0xd: {  	[smem:$0x3FB0] =	sst s5  }
0xe: {  	[smem:$0x3FB1] =	sst s6  }
0xf: {  	[smem:$0x3FB2] =	sst s7  }
0x10: {  	[smem:$0x3FB3] =	sst s8  }
0x11: {  	[smem:$0x3FB4] =	sst s9;
	s0 =	simm.s32 @!p0 $0x0  }
0x12: {  	s1 =	sld [smem:$0x3F9A];
	s0 =	simm.s32 @p0 $0x1  }
0x13: {  	[smem:$0x3FB5] =	sst s0;
	s0 =	simm.s32 @!p1 $0x0  }
0x14: {  	s2 =	sld [smem:$0x3F99];
	s0 =	simm.s32 @p1 $0x1  }
0x15: {  	[smem:$0x3FB6] =	sst s0;
	s0 =	simm.s32 @!p2 $0x0  }
0x16: {  	s3 =	sld [smem:$0x3FDB];
	s0 =	simm.s32 @p2 $0x1  }
0x17: {  	s4 =	simm.s32 $0x1BF5;
	[smem:$0x3FB8] =	sst s0  }
0x18: {  	s0 =	sld [smem:$0x3F9B];
	_ =	swait.ge [sflag:s4], $0x0  }
0x19: {  	s7 =	sld [smem:$0x3F9C]  }
0x1a: {  	s8 =	sadd.s32 $0xFFFFE003, lr  }
0x1b: {  	s9 =	sadd.s32 $0xFFFFFEF7, lr;
	s5 =	simm.s32 $0xFFFFFFFF;
	p2 =	slt.u32 s8, $0xFFFFF086  }
0x1c: {  	p1 =	slt.u32 s9, $0xF7A;
	s5 =	simm.s32 @!p2 $0x0  }
0x1d: {  	s5 =	simm.s32 @p1 $0x1;
	p0 =	seq.s32 s7, s2  }
0x1e: {  	s7 =	smul.u32 @!p0 $0xF7A, s2;
	p2 =	seq.s32 @!p0 s5, $0x0  }
0x1f: {  	s9 =	smul.u32 $0xF7A, s1;
	s8 =	simm.s32 @!p0 $0x1BF5;
	p2 =	por !p2, p0  }
0x20: {  	[sflag:s8] =	ssyncset.s32 @!p0 $0xFFFFF086;
	s6 =	sadd.s32 @!p0 s3, s7;
	s7 =	simm.s32 @!p0 $0x108  }
0x21: {  	s3 =	sadd.s32 s3, s9;
	s6 =	sadd.s32 @!p0 $0x88, s6;
	s7 =	simm.s32 @p2 $0x1082  }
0x22: {  	[simem:s7], [sflag:s8] =	dma.local @!p0 [hbm:s6], $0xF7A  }
0x23: {  	s9 =	sor.u32 $0xD0000000, s2;
	s6 =	simm.s32 $0x108;
	_ =	swait.ge @!p0 [sflag:s8], $0x0  }
0x24: {  	s3 =	sadd.s32 $0x88, s3;
	s6 =	simm.s32 @!p1 $0x1082;
	[sflag:s4] =	ssyncset.s32 $0xFFFFF086  }
0x25: {  	[simem:s6], [sflag:s4] =	dma.local [hbm:s3], $0xF7A  }
0x26: {  	[smem:$0x3F9C] =	sst s1;
	(tag) =	ssettag s2;
	_ =	strace s9  }
0x27: {  	s1 =	sld [smem:$0x3FAC]  }
0x28: {  	s2 =	sld [smem:$0x3FAD]  }
0x29: {  	s4 =	sld [smem:$0x3FAF]  }
0x2a: {  	p0 =	seq.s32 s5, $0x0;
	s5 =	sld [smem:$0x3FB0]  }
0x2b: {  	s6 =	sld [smem:$0x3FB1]  }
0x2c: {  	s7 =	sld [smem:$0x3FB2]  }
0x2d: {  	s3 =	simm.s32 $0x108;
	s8 =	sld [smem:$0x3FB3]  }
0x2e: {  	s3 =	simm.s32 @!p0 $0x1082;
	s9 =	sld [smem:$0x3FB4]  }
0x2f: {  	lr =	sadd.s32 s0, s3;
	s0 =	sld [smem:$0x3FAB]  }
0x30: {  	s3 =	sld [smem:$0x3FAE]  }
0x31: {  	[smem:$0x3FB7] =	sst s10  }
0x32: {  	s10 =	sld [smem:$0x3FB5];
	_ =	sdelay $0x3  }
0x33: {  	p0 =	seq.s32 s10, $0x1;
	s10 =	sld [smem:$0x3FB7];
	_ =	sdelay $0x3  }
0x34: {  	[smem:$0x3FB7] =	sst s10  }
0x35: {  	s10 =	sld [smem:$0x3FB6];
	_ =	sdelay $0x3  }
0x36: {  	p1 =	seq.s32 s10, $0x1;
	s10 =	sld [smem:$0x3FB7];
	_ =	sdelay $0x3  }
0x37: {  	[smem:$0x3FB7] =	sst s10  }
0x38: {  	s10 =	sld [smem:$0x3FB8]  }
0x39: {  	_ = 	snop;
	(pc) =	sbr.ind lr, $3  }
0x3a: {  	_ = 	snop  }
0x3b: {  	_ = 	snop  }
0x3c: {  	p2 =	seq.s32 s10, $0x1;
	s10 =	sld [smem:$0x3FB7]  }
0x3d: {  	_ =	shalt  }
0x3e: {  	_ =	shalt  }
0x3f: {  	_ =	shalt  }
0x40: {  	_ =	shalt  }
0x41: {  	_ =	shalt  }
0x42: {  	_ =	shalt  }
0x43: {  	_ =	shalt  }
0x44: {  	_ =	shalt  }
0x45: {  	_ =	shalt  }
0x46: {  	_ =	shalt  }
0x47: {  	_ =	shalt  }
0x48: {  	_ =	shalt  }
0x49: {  	_ =	shalt  }
0x4a: {  	_ =	shalt  }
0x4b: {  	_ =	shalt  }
0x4c: {  	_ =	shalt  }
0x4d: {  	_ =	shalt  }
0x4e: {  	_ =	shalt  }
0x4f: {  	_ =	shalt  }
0x50: {  	_ =	shalt  }
0x51: {  	_ =	shalt  }
0x52: {  	_ =	shalt  }
0x53: {  	_ =	shalt  }
0x54: {  	_ =	shalt  }
0x55: {  	_ =	shalt  }
0x56: {  	_ =	shalt  }
0x57: {  	_ =	shalt  }
0x58: {  	_ =	shalt  }
0x59: {  	_ =	shalt  }
0x5a: {  	_ =	shalt  }
0x5b: {  	_ =	shalt  }
0x5c: {  	_ =	shalt  }
0x5d: {  	_ =	shalt  }
0x5e: {  	_ =	shalt  }
0x5f: {  	_ =	shalt  }
0x60: {  	_ =	shalt  }
0x61: {  	_ =	shalt  }
0x62: {  	_ =	shalt  }
0x63: {  	_ =	shalt  }
0x64: {  	_ =	shalt  }
0x65: {  	_ =	shalt  }
0x66: {  	_ =	shalt  }
0x67: {  	_ =	shalt  }
0x68: {  	_ =	shalt  }
0x69: {  	_ =	shalt  }
0x6a: {  	_ =	shalt  }
0x6b: {  	_ =	shalt  }
0x6c: {  	_ =	shalt  }
0x6d: {  	_ =	shalt  }
0x6e: {  	_ =	shalt  }
0x6f: {  	_ =	shalt  }
0x70: {  	_ =	shalt  }
0x71: {  	_ =	shalt  }
0x72: {  	_ =	shalt  }
0x73: {  	_ =	shalt  }
0x74: {  	_ =	shalt  }
0x75: {  	_ =	shalt  }
0x76: {  	_ =	shalt  }
0x77: {  	_ =	shalt  }
0x78: {  	_ =	shalt  }
0x79: {  	_ =	shalt  }
0x7a: {  	_ =	shalt  }
0x7b: {  	_ =	shalt  }
0x7c: {  	_ =	shalt  }
0x7d: {  	_ =	shalt  }
0x7e: {  	_ =	shalt  }
0x7f: {  	_ =	shalt  }
0x80: {  	_ =	shalt  }
0x81: {  	_ =	shalt  }
0x82: {  	_ =	shalt  }
0x83: {  	_ =	shalt  }
0x84: {  	_ =	shalt  }
0x85: {  	_ =	shalt  }
0x86: {  	_ =	shalt  }
0x87: {  	_ =	shalt  }
.Lfunc_end0:
.L_simem_size_0:
called_computation_lowered:
.L_overlay_start_0:
0x88: {  	s2 =	sld [smem:$0x3FD9]  }
0x89: {  	s3 =	sld [smem:$0x3FFE];
	_ =	sdelay $0x1  }
0x8a: {  	s1 =	srdreg.scid  }
0x8b: {  	s0 =	sand.u32 $0x1, s1  }
0x8c: {  	s17 =	sshll.u32 s0, $0xA;
	s2 =	sadd.s32 s3, s2  }
0x8d: {  	s2 =	sadd.s32 s2, s17  }
0x8e: {  	[smem:$0x3FC3] =	sst s2  }
0x8f: {  	_ = 	snop  }
0x90: {  	s2 =	sld [smem:$0x3FC7];
	(tm) =	ssettm $0x1  }
0x91: {  	s18 =	sld [smem:$0x3FFB];
	_ =	sdelay $0x3  }
0x92: {  	_ =	strace s18  }
0x93: {  	s3 =	sld [smem:$0x3FFC];
	_ =	sdelay $0x3  }
0x94: {  	_ =	strace s3  }
0x95: {  	s3 =	sld [smem:$0x3FFD];
	_ =	sdelay $0x3  }
0x96: {  	_ =	strace s3  }
0x97: {  	_ =	strace $0x8FFFFFFF  }
0x98: {  	s19 =	sld [smem:$0x3FDB];
	_ =	sdelay $0x1  }
0x99: {  	s4 =	simm.s32 $_scs_section_size  }
0x9a: {  	s5 =	simm.s32 $_size__tile_overlayer_lowered;
	s6 =	simm.s32 $_tile_overlayer_lowered  }
0x9b: {  	s22 =	simm.s32 $0x1BFF;
	s21 =	sshll.u32 s6, $0x1;
	s3 =	sadd.s32 s4, s19  }
0x9c: {  	s7 =	simm.s32 $0x0;
	s20 =	sshll.u32 s5, $0x1;
	s5 =	sadd.s32 s21, s3  }
0x9d: {  	[timem:s7], [sflag:s22] =	dma.local [hbm:s5], s20  }
0x9e: {  	_ =	swait.ge [sflag:s22], s20  }
0x9f: {  	s4 =	ssub.s32 $0x0, s20;
	[sflag:s22] =	ssyncset.done $0x0  }
0xa0: {  	[sflag:s22] =	ssyncadd.s32 s4;
	_ =	sdelay $0x1  }
0xa1: {  	s23 =	simm.s32 $0x1B8B  }
0xa2: {  	_ =	swait.ge [sflag:s23], $0x1  }
0xa3: {  	[sflag:s23] =	ssyncset.done $0x0  }
0xa4: {  	s25 =	simm.s32 $0x1B8E;
	s24 =	sld [smem:$0x3FFE];
	[sflag:s23] =	ssyncadd.s32 $0xFFFFFFFF  }
0xa5: {  	s26 =	simm.s32 $execute0_lowered;
	[smem:$0x3FD2] =	sst s25  }
0xa6: {  	s5 =	sshll.u32 s26, $0x1;
	_ =	strace $0x80000046;
	[dreg:$0x1] =	wrdreg $0xFFFFFFFF  }
0xa7: {  	s28 =	simm.s32 $_size_execute0_lowered;
	s3 =	sadd.s32 s3, s5;
	[dreg:$0x0] =	wrdreg $0x0  }
0xa8: {  	s5 =	sshll.u32 s28, $0x1;
	[dreg:$0x2] =	wrdreg s3  }
0xa9: {  	[dreg:$0x3] =	wrdreg s5  }
0xaa: {  	[dreg:$0x4] =	wrdreg $0xC0  }
0xab: {  	_ =	task [dreg:s7], $0x5FFFF  }
0xac: {  	[dreg:$0x1] =	wrdreg $0xFFFFFFFF  }
0xad: {  	[dreg:$0x0] =	wrdreg $0x60  }
0xae: {  	[dreg:$0x2] =	wrdreg s24  }
0xaf: {  	[dreg:$0x3] =	wrdreg s2  }
0xb0: {  	[dreg:$0x4] =	wrdreg $0x9  }
0xb1: {  	_ =	task.clear_ibuf [dreg:s7], $0x5FFFF;
	_ =	strace $0x90000046  }
0xb2: {  	s29 =	simm.s32 $0x9;
	_ =	strace $0x80000048  }
0xb3: {  	_ =	swait.ge [sflag:s29], $0x1  }
0xb4: {  	[sflag:s29] =	ssyncadd.s32 $0xFFFFFFFF  }
0xb5: {  	_ =	strace $0x90000048  }
0xb6: {  	_ =	sfence  }
0xb7: {  	s30 =	sld [smem:$0x0];
	_ =	sdelay $0x2  }
0xb8: {  	s31 =	sshll.u32 s1, $0xD;
	s1 =	sshrl.u32 s1, $0x2  }
0xb9: {  	s3 =	sand.u32 $0x4000, s31;
	s1 =	sadd.s32 s1, s30  }
0xba: {  	s0 =	sor.u32 s3, s0;
	s1 =	sshll.u32 s1, $0x11  }
0xbb: {  	s0 =	sor.u32 s1, s0  }
0xbc: {  	s0 =	sadd.s32 $0x8F2B, s0  }
0xbd: {  	[sflag:s0] =	ssyncadd.remote.s32 $0x1  }
0xbe: {  	_ =	sfence.sel $0xFFFF  }
0xbf: {  	[dreg:$0x0] =	wrdreg $0xFFFFFFFF;
	(pc) =	sbr.abs _section_cstart, $3  }
0xc0: {  	[dreg:$0x1] =	wrdreg $0xFFFFFFFF  }
0xc1: {  	_ =	task.clear_ibuf [dreg:s7], $0x2FFFF;
	_ =	strace $0x9FFFFFFF  }
0xc2: {  	(tm) =	ssettm $0x7FFFFFFF  }
0xc3: {  	_ =	shalt  }
tec
execute0_lowered:
.L_overlay_start_1:
0x0: {  	(tag) =	ssettag $0x1  }
0x1: {  	s7 =	rddreg [dreg:$0x0]  }
0x2: {  	s8 =	rddreg [dreg:$0x1];
	s2 =	simm.s32 $0x0;
	s4 =	srdreg.scid  }
0x3: {  	s0 =	stileid.u32;
	s1 =	simm.s32 $0x0;
	[smem:$0x7FF] =	sst s2  }
0x4: {  	s3 =	sadd.s32 $0x1600, s7;
	s9 =	sand.u32 $0x1, s4;
	s6 =	sshll.u32 s0, $0x1  }
0x5: {  	s4 =	sadd.s32 $0x7600, s7;
	s5 =	sadd.s32 $0x3600, s7;
	_ =	strace $0x80000047  }
0x6: {  	s10 =	sor.u32 s9, s6;
	s6 =	sadd.s32 $0xF89A00, s7;
	s9 =	ssub.s32 $0x2, s9  }
0x7: {  	s11 =	sshll.u32 s10, $0xD;
	s28 =	sshrl.u32 s9, $0x1;
	s12 =	sshll.u32 s10, $0x6  }
0x8: {  	s11 =	sadd.s32 s11, s7;
	s13 =	ssub.s32 s9, s28;
	s29 =	sadd.s32 s8, s12  }
0x9: {  	s7 =	sshll.u32 s10, $0xB;
	[dreg:$0x3] =	wrdreg s29;
	s30 =	sadd.s32 $0xF49A00, s11  }
0xa: {  	s12 =	simm.s32 $0x1;
	s31 =	smax.u32 s13, $0x1;
	[dreg:$0x4] =	wrdreg s30  }
0xb: {  	s11 =	simm.s32 $0x2;
	s13 =	simm.s32 $0x200;
	[dreg:$0x5] =	wrdreg s31  }
.LBB2_1:
0xc: {  	[dreg:$0x6] =	wrdreg s1;
	s15 =	simm.s32 $0x0  }
.LBB2_2:
0xd: {  	s16 =	sshll.u32 s15, $0x9  }
0xe: {  	s16 =	sadd.s32 s7, s16  }
0xf: {  	s17 =	sshrl.u32 s16, $0x3  }
0x10: {  	s18 =	simm.s32 $0x0;
	s17 =	sadd.s32 s3, s17  }
0x11: {  	[tilespmem:s18], [sflag:$0x2] =	stream.linear.gather [hbm4b:s17+s18], $0x200, $0x38;
	[tilespmem:$0x10200] =	vst v63  }
0x12: {  	_ =	swait.ge [sflag:s11], $0x200  }
0x13: {  	[sflag:s11] =	ssyncset.done $0x0  }
0x14: {  	[sflag:s11] =	ssyncadd.s32 $0xFFFFFE00  }
0x15: {  	v0 =	vld [tilespmem:s18+$0x0];
	_ =	sdelay $0x4  }
0x16: {  	v0 =	vshll.u32 v0, $0x4  }
0x17: {  	(v2sf) =	vpush v0, $0x0  }
0x18: {  	(v2sf) =	vpush v0, $0x1  }
0x19: {  	(v2sf) =	vpush v0, $0x2;
	_ =	sdelay $0x1  }
0x1a: {  	(v2sf) =	vpush v0, $0x4;
	_ =	sdelay $0x1  }
0x1b: {  	(v2sf) =	vpush v0, $0x3  }
0x1c: {  	(v2sf) =	vpush v0, $0x5  }
0x1d: {  	s19 =	simm.s32 $0x2000;
	s17 =	simm.s32 $0x0;
	(v2sf) =	vpush v0, $0x6  }
.LBB2_3:
0x1e: {  	p0 =	sne.s32 s19, $0x3E000  }
0x1f: {  	s30 =	sadd.s32 $0x280, s17;
	s23 =	sadd.s32 $0x780, s17;
	s20 =	smov.u32 s19  }
0x20: {  	s19 =	sadd.s32 $0x2000, s19;
	s26 =	sadd.s32 $0x580, s17;
	s21 =	sadd.s32 $0x800, s17;
	(v2sf) =	vpush v0, $0x7  }
0x21: {  	s29 =	sadd.s32 $0x480, s17;
	s25 =	sadd.s32 $0x600, s17;
	s22 =	sadd.s32 $0x880, s17  }
0x22: {  	s31 =	sadd.s32 $0x200, s17;
	s0 =	sadd.s32 $0x400, s17;
	(v2sf) =	vpush v0, $0x8  }
0x23: {  	s1 =	sadd.s32 $0x500, s17;
	s18 =	sadd.s32 $0x10, s18  }
0x24: {  	s8 =	sadd.s32 $0x300, s17;
	s24 =	sadd.s32 $0x700, s17;
	s28 =	spop (v2sf);
	(v2sf) =	vpush v0, $0x9  }
0x25: {  	s9 =	sand.u32 $0x1FFFFFF0, s28;
	s28 =	sadd.s32 $0x680, s17;
	s10 =	spop (v2sf)  }
0x26: {  	s9 =	sadd.s32 s4, s9;
	s10 =	sand.u32 $0x1FFFFFF0, s10;
	s14 =	spop (v2sf);
	(v2sf) =	vpush v0, $0xA  }
0x27: {  	[tilespmem:s31], [sflag:$0x1] =	stream.linear.gather [hbm4b:s9+s2], $0x80, $0x38;
	[tilespmem:$0x10200] =	vst v63  }
0x28: {  	s9 =	sadd.s32 s4, s10;
	s10 =	sadd.s32 $0x380, s17;
	s31 =	spop (v2sf);
	(v2sf) =	vpush v0, $0xB  }
0x29: {  	[tilespmem:s30], [sflag:$0x1] =	stream.linear.gather [hbm4b:s9+s2], $0x80, $0x38;
	[tilespmem:$0x10200] =	vst v63  }
0x2a: {  	s9 =	sand.u32 $0x1FFFFFF0, s14;
	s14 =	sand.u32 $0x1FFFFFF0, s31;
	s30 =	spop (v2sf);
	(v2sf) =	vpush v0, $0xC  }
0x2b: {  	s9 =	sadd.s32 s4, s9;
	s30 =	sand.u32 $0x1FFFFFF0, s30;
	s31 =	spop (v2sf)  }
0x2c: {  	[tilespmem:s8], [sflag:$0x1] =	stream.linear.gather [hbm4b:s9+s2], $0x80, $0x38;
	(v2sf) =	vpush v0, $0xD;
	[tilespmem:$0x10200] =	vst v63  }
0x2d: {  	s8 =	sadd.s32 s4, s30;
	s9 =	sand.u32 $0x1FFFFFF0, s31;
	s30 =	spop (v2sf)  }
0x2e: {  	[tilespmem:s10], [sflag:$0x1] =	stream.linear.gather [hbm4b:s8+s2], $0x80, $0x38;
	(v2sf) =	vpush v0, $0xE;
	[tilespmem:$0x10200] =	vst v63  }
0x2f: {  	s8 =	sadd.s32 s4, s14;
	s10 =	sand.u32 $0x1FFFFFF0, s30;
	s14 =	spop (v2sf)  }
0x30: {  	[tilespmem:s0], [sflag:$0x1] =	stream.linear.gather [hbm4b:s8+s2], $0x80, $0x38;
	(v2sf) =	vpush v0, $0xF;
	[tilespmem:$0x10200] =	vst v63  }
0x31: {  	s0 =	sadd.s32 s4, s9;
	s8 =	sand.u32 $0x1FFFFFF0, s14;
	s9 =	spop (v2sf)  }
0x32: {  	[tilespmem:s29], [sflag:$0x1] =	stream.linear.gather [hbm4b:s0+s2], $0x80, $0x38;
	[tilespmem:$0x10200] =	vst v63  }
0x33: {  	s0 =	sadd.s32 s4, s10;
	s9 =	sand.u32 $0x1FFFFFF0, s9;
	s10 =	spop (v2sf)  }
0x34: {  	[tilespmem:s1], [sflag:$0x1] =	stream.linear.gather [hbm4b:s0+s2], $0x80, $0x38;
	[tilespmem:$0x10200] =	vst v63  }
0x35: {  	s0 =	sadd.s32 s4, s8;
	s1 =	sand.u32 $0x1FFFFFF0, s10;
	s8 =	spop (v2sf)  }
0x36: {  	[tilespmem:s26], [sflag:$0x1] =	stream.linear.gather [hbm4b:s0+s2], $0x80, $0x38;
	[tilespmem:$0x10200] =	vst v63  }
0x37: {  	s0 =	sadd.s32 s4, s9;
	s8 =	sand.u32 $0x1FFFFFF0, s8;
	s9 =	spop (v2sf)  }
0x38: {  	[tilespmem:s25], [sflag:$0x1] =	stream.linear.gather [hbm4b:s0+s2], $0x80, $0x38;
	[tilespmem:$0x10200] =	vst v63  }
0x39: {  	s0 =	sadd.s32 s4, s1;
	s1 =	sand.u32 $0x1FFFFFF0, s9;
	s9 =	spop (v2sf)  }
0x3a: {  	[tilespmem:s28], [sflag:$0x1] =	stream.linear.gather [hbm4b:s0+s2], $0x80, $0x38;
	[tilespmem:$0x10200] =	vst v63  }
0x3b: {  	s0 =	sadd.s32 s4, s8;
	s8 =	sand.u32 $0x1FFFFFF0, s9;
	s9 =	spop (v2sf)  }
0x3c: {  	[tilespmem:s24], [sflag:$0x1] =	stream.linear.gather [hbm4b:s0+s2], $0x80, $0x38;
	[tilespmem:$0x10200] =	vst v63  }
0x3d: {  	s0 =	sadd.s32 s4, s1;
	s1 =	sand.u32 $0x1FFFFFF0, s9;
	s9 =	spop (v2sf)  }
0x3e: {  	[tilespmem:s23], [sflag:$0x1] =	stream.linear.gather [hbm4b:s0+s2], $0x80, $0x38;
	[tilespmem:$0x10200] =	vst v63  }
0x3f: {  	s0 =	sadd.s32 s4, s8;
	s8 =	sand.u32 $0x1FFFFFF0, s9;
	s9 =	spop (v2sf)  }
0x40: {  	[tilespmem:s21], [sflag:$0x1] =	stream.linear.gather [hbm4b:s0+s2], $0x80, $0x38;
	[tilespmem:$0x10200] =	vst v63  }
0x41: {  	s0 =	sadd.s32 s4, s1;
	s1 =	sand.u32 $0x1FFFFFF0, s9  }
0x42: {  	[tilespmem:s22], [sflag:$0x1] =	stream.linear.gather [hbm4b:s0+s2], $0x80, $0x38;
	[tilespmem:$0x10200] =	vst v63  }
0x43: {  	s8 =	sadd.s32 s4, s8;
	s0 =	sadd.s32 $0x900, s17  }
0x44: {  	[tilespmem:s0], [sflag:$0x1] =	stream.linear.gather [hbm4b:s8+s2], $0x80, $0x38;
	[tilespmem:$0x10200] =	vst v63  }
0x45: {  	s1 =	sadd.s32 s4, s1;
	s0 =	sadd.s32 $0x980, s17  }
0x46: {  	[tilespmem:s0], [sflag:$0x1] =	stream.linear.gather [hbm4b:s1+s2], $0x80, $0x38;
	[tilespmem:$0x10200] =	vst v63  }
0x47: {  	v0 =	vld [tilespmem:s18+$0x0];
	_ =	sdelay $0x4  }
0x48: {  	v0 =	vshll.u32 v0, $0x4  }
0x49: {  	(v2sf) =	vpush v0, $0x0  }
0x4a: {  	(v2sf) =	vpush v0, $0x1  }
0x4b: {  	(v2sf) =	vpush v0, $0x2;
	_ =	sdelay $0x1  }
0x4c: {  	(v2sf) =	vpush v0, $0x4  }
.Ltmp0:
0x4d: {  	(pc) =	sbr.rel @p0 .LBB2_3-.Ltmp0, $3  }
0x4e: {  	(v2sf) =	vpush v0, $0x3  }
0x4f: {  	(v2sf) =	vpush v0, $0x5;
	_ =	sdelay $0x1  }
0x50: {  	s17 =	sshra.s32 s20, $0x2;
	(v2sf) =	vpush v0, $0x6  }
0x51: {  	_ =	sdelay $0x1  }
0x52: {  	s0 =	sadd.s32 $0x280, s17;
	s20 =	sadd.s32 $0x780, s17  }
0x53: {  	s1 =	sadd.s32 $0x580, s17;
	s18 =	sadd.s32 $0x800, s17;
	(v2sf) =	vpush v0, $0x7;
	s8 =	sadd.s32 $0x480, s17  }
0x54: {  	s9 =	sadd.s32 $0x600, s17;
	s19 =	sadd.s32 $0x880, s17;
	s10 =	sadd.s32 $0x200, s17  }
0x55: {  	s14 =	sadd.s32 $0x400, s17;
	s21 =	sadd.s32 $0x500, s17;
	(v2sf) =	vpush v0, $0x8;
	s22 =	spop (v2sf)  }
0x56: {  	s23 =	sadd.s32 $0x300, s17;
	s22 =	sand.u32 $0x1FFFFFF0, s22;
	s24 =	spop (v2sf)  }
0x57: {  	(v2sf) =	vpush v0, $0x9;
	s22 =	sadd.s32 s4, s22;
	s24 =	sand.u32 $0x1FFFFFF0, s24;
	s25 =	spop (v2sf)  }
0x58: {  	[tilespmem:s10], [sflag:$0x1] =	stream.linear.gather [hbm4b:s22+s2], $0x80, $0x38;
	[tilespmem:$0x10200] =	vst v63  }
0x59: {  	(v2sf) =	vpush v0, $0xA;
	s26 =	sadd.s32 s4, s24;
	s29 =	sand.u32 $0x1FFFFFF0, s25;
	s28 =	spop (v2sf)  }
0x5a: {  	[tilespmem:s0], [sflag:$0x1] =	stream.linear.gather [hbm4b:s26+s2], $0x80, $0x38;
	[tilespmem:$0x10200] =	vst v63  }
0x5b: {  	s10 =	sadd.s32 $0x700, s17;
	(v2sf) =	vpush v0, $0xB;
	s22 =	sadd.s32 s4, s29;
	s30 =	spop (v2sf)  }
0x5c: {  	s0 =	sadd.s32 $0x680, s17;
	s26 =	sadd.s32 $0x380, s17;
	s25 =	sand.u32 $0x1FFFFFF0, s30  }
0x5d: {  	(v2sf) =	vpush v0, $0xC;
	[tilespmem:s23], [sflag:$0x1] =	stream.linear.gather [hbm4b:s22+s2], $0x80, $0x38;
	[tilespmem:$0x10200] =	vst v63  }
0x5e: {  	s31 =	sand.u32 $0x1FFFFFF0, s28;
	s28 =	spop (v2sf);
	s29 =	sadd.s32 s4, s25  }
0x5f: {  	(v2sf) =	vpush v0, $0xD;
	[tilespmem:s26], [sflag:$0x1] =	stream.linear.gather [hbm4b:s29+s2], $0x80, $0x38;
	[tilespmem:$0x10200] =	vst v63  }
0x60: {  	s22 =	sadd.s32 s4, s31;
	s23 =	sand.u32 $0x1FFFFFF0, s28;
	s30 =	spop (v2sf)  }
0x61: {  	(v2sf) =	vpush v0, $0xE;
	[tilespmem:s14], [sflag:$0x1] =	stream.linear.gather [hbm4b:s22+s2], $0x80, $0x38;
	[tilespmem:$0x10200] =	vst v63  }
0x62: {  	s23 =	sadd.s32 s4, s23;
	s31 =	sand.u32 $0x1FFFFFF0, s30;
	s24 =	spop (v2sf)  }
0x63: {  	(v2sf) =	vpush v0, $0xF;
	[tilespmem:s8], [sflag:$0x1] =	stream.linear.gather [hbm4b:s23+s2], $0x80, $0x38;
	[tilespmem:$0x10200] =	vst v63  }
0x64: {  	s25 =	sand.u32 $0x1FFFFFF0, s24;
	s26 =	spop (v2sf);
	s14 =	sadd.s32 s4, s31  }
0x65: {  	[tilespmem:s21], [sflag:$0x1] =	stream.linear.gather [hbm4b:s14+s2], $0x80, $0x38;
	[tilespmem:$0x10200] =	vst v63  }
0x66: {  	s28 =	sand.u32 $0x1FFFFFF0, s26;
	s8 =	sadd.s32 s4, s25;
	s29 =	spop (v2sf)  }
0x67: {  	[tilespmem:s1], [sflag:$0x1] =	stream.linear.gather [hbm4b:s8+s2], $0x80, $0x38;
	[tilespmem:$0x10200] =	vst v63  }
0x68: {  	s14 =	sadd.s32 s4, s28;
	s30 =	sand.u32 $0x1FFFFFF0, s29;
	s31 =	spop (v2sf)  }
0x69: {  	[tilespmem:s9], [sflag:$0x1] =	stream.linear.gather [hbm4b:s14+s2], $0x80, $0x38;
	[tilespmem:$0x10200] =	vst v63  }
0x6a: {  	s8 =	sand.u32 $0x1FFFFFF0, s31;
	s1 =	sadd.s32 s4, s30;
	s14 =	spop (v2sf)  }
0x6b: {  	[tilespmem:s0], [sflag:$0x1] =	stream.linear.gather [hbm4b:s1+s2], $0x80, $0x38;
	[tilespmem:$0x10200] =	vst v63  }
0x6c: {  	s8 =	sadd.s32 s4, s8;
	s21 =	sand.u32 $0x1FFFFFF0, s14;
	s22 =	spop (v2sf)  }
0x6d: {  	[tilespmem:s10], [sflag:$0x1] =	stream.linear.gather [hbm4b:s8+s2], $0x80, $0x38;
	[tilespmem:$0x10200] =	vst v63  }
0x6e: {  	s0 =	sadd.s32 s4, s21;
	s1 =	sand.u32 $0x1FFFFFF0, s22;
	s23 =	spop (v2sf)  }
0x6f: {  	[tilespmem:s20], [sflag:$0x1] =	stream.linear.gather [hbm4b:s0+s2], $0x80, $0x38;
	[tilespmem:$0x10200] =	vst v63  }
0x70: {  	s24 =	sand.u32 $0x1FFFFFF0, s23;
	s1 =	sadd.s32 s4, s1;
	s25 =	spop (v2sf)  }
0x71: {  	[tilespmem:s18], [sflag:$0x1] =	stream.linear.gather [hbm4b:s1+s2], $0x80, $0x38;
	[tilespmem:$0x10200] =	vst v63  }
0x72: {  	s26 =	sand.u32 $0x1FFFFFF0, s25;
	s28 =	spop (v2sf);
	s0 =	sadd.s32 s4, s24  }
0x73: {  	[tilespmem:s19], [sflag:$0x1] =	stream.linear.gather [hbm4b:s0+s2], $0x80, $0x38;
	[tilespmem:$0x10200] =	vst v63  }
0x74: {  	s30 =	sadd.s32 $0x900, s17;
	s29 =	sand.u32 $0x1FFFFFF0, s28;
	s1 =	sadd.s32 s4, s26  }
0x75: {  	[tilespmem:s30], [sflag:$0x1] =	stream.linear.gather [hbm4b:s1+s2], $0x80, $0x38;
	[tilespmem:$0x10200] =	vst v63  }
0x76: {  	s31 =	sadd.s32 $0x980, s17;
	s0 =	sadd.s32 s4, s29  }
0x77: {  	[tilespmem:s31], [sflag:$0x1] =	stream.linear.gather [hbm4b:s0+s2], $0x80, $0x38;
	[tilespmem:$0x10200] =	vst v63  }
0x78: {  	_ =	swait.ge [sflag:s12], $0x80  }
0x79: {  	s17 =	simm.s32 $0x1FF;
	[sflag:s12] =	ssyncset.done $0x0  }
.LBB2_5:
0x7a: {  	p0 =	sne.s32 s17, $0x1;
	s17 =	sadd.s32 $0xFFFFFFFF, s17;
	[sflag:s12] =	ssyncadd.s32 $0xFFFFFF80  }
.Ltmp1:
0x7b: {  	(pc) =	sbr.rel @p0 .LBB2_5-.Ltmp1, $3  }
0x7c: {  	_ =	sdelay $0x1  }
0x7d: {  	_ =	swait.ge [sflag:s12], $0x80  }
0x7e: {  	[sflag:s12] =	ssyncset.done $0x0  }
0x7f: {  	s15 =	sadd.s32 $0x1, s15  }
0x80: {  	s0 =	sshll.u32 s16, $0x4;
	p0 =	sne.s32 s15, $0x4  }
.Ltmp2:
0x81: {  	[sflag:s12] =	ssyncadd.s32 $0xFFFFFF80;
	s0 =	sadd.s32 s6, s0;
	(pc) =	sbr.rel @p0 .LBB2_2-.Ltmp2, $4  }
0x82: {  	[hbm4b:s0+s2] =	stream.linear.scatter [tilespmem:s13], [sflag:$0x2], $0x10000, $0x38;
	[tilespmem:$0x10200] =	vst v63  }
0x83: {  	_ =	swait.ge [sflag:s11], $0x10000  }
0x84: {  	[sflag:s11] =	ssyncset.done $0x0  }
0x85: {  	[sflag:s11] =	ssyncadd.s32 $0xFFFF0000  }
0x86: {  	s16 =	simm.s32 $0x0;
	s0 =	rddreg [dreg:$0x3]  }
0x87: {  	[tilespmem:s16], [sflag:$0x2] =	stream.linear.gather [hbm4b:s0+s16], $0x200, $0x38;
	[tilespmem:$0x10200] =	vst v63  }
0x88: {  	_ =	swait.ge [sflag:s11], $0x200  }
0x89: {  	[sflag:s11] =	ssyncset.done $0x0  }
0x8a: {  	[sflag:s11] =	ssyncadd.s32 $0xFFFFFE00  }
0x8b: {  	v0 =	vld [tilespmem:s16+$0x0];
	_ =	sdelay $0x4  }
0x8c: {  	v0 =	vshll.u32 v0, $0x4  }
0x8d: {  	(v2sf) =	vpush v0, $0x0  }
0x8e: {  	(v2sf) =	vpush v0, $0x1  }
0x8f: {  	(v2sf) =	vpush v0, $0x2;
	_ =	sdelay $0x1  }
0x90: {  	(v2sf) =	vpush v0, $0x4;
	_ =	sdelay $0x1  }
0x91: {  	(v2sf) =	vpush v0, $0x3  }
0x92: {  	(v2sf) =	vpush v0, $0x5  }
0x93: {  	s17 =	simm.s32 $0x2000;
	s15 =	simm.s32 $0x0;
	(v2sf) =	vpush v0, $0x6  }
.LBB2_8:
0x94: {  	p0 =	sne.s32 s17, $0x3E000  }
0x95: {  	s0 =	sadd.s32 $0x280, s15;
	s21 =	sadd.s32 $0x780, s15;
	s18 =	smov.u32 s17  }
0x96: {  	s17 =	sadd.s32 $0x2000, s17;
	s24 =	sadd.s32 $0x580, s15;
	s19 =	sadd.s32 $0x800, s15;
	(v2sf) =	vpush v0, $0x7  }
0x97: {  	s26 =	sadd.s32 $0x480, s15;
	s23 =	sadd.s32 $0x600, s15;
	s20 =	sadd.s32 $0x880, s15  }
0x98: {  	s1 =	sadd.s32 $0x200, s15;
	s8 =	sadd.s32 $0x400, s15;
	(v2sf) =	vpush v0, $0x8  }
0x99: {  	s9 =	sadd.s32 $0x500, s15;
	s16 =	sadd.s32 $0x10, s16  }
0x9a: {  	s10 =	sadd.s32 $0x300, s15;
	s22 =	sadd.s32 $0x700, s15;
	s14 =	spop (v2sf);
	(v2sf) =	vpush v0, $0x9  }
0x9b: {  	s25 =	sadd.s32 $0x680, s15;
	s14 =	sand.u32 $0x1FFFFFF0, s14;
	s28 =	spop (v2sf)  }
0x9c: {  	s14 =	sadd.s32 s5, s14;
	s28 =	sand.u32 $0x1FFFFFF0, s28;
	s29 =	spop (v2sf);
	(v2sf) =	vpush v0, $0xA  }
0x9d: {  	[tilespmem:s1], [sflag:$0x1] =	stream.linear.gather [hbm4b:s14+s2], $0x80, $0x38;
	[tilespmem:$0x10200] =	vst v63  }
0x9e: {  	s1 =	sadd.s32 s5, s28;
	s14 =	sadd.s32 $0x380, s15;
	s28 =	spop (v2sf);
	(v2sf) =	vpush v0, $0xB  }
0x9f: {  	[tilespmem:s0], [sflag:$0x1] =	stream.linear.gather [hbm4b:s1+s2], $0x80, $0x38;
	[tilespmem:$0x10200] =	vst v63  }
0xa0: {  	s0 =	sand.u32 $0x1FFFFFF0, s29;
	s1 =	sand.u32 $0x1FFFFFF0, s28;
	s28 =	spop (v2sf);
	(v2sf) =	vpush v0, $0xC  }
0xa1: {  	s0 =	sadd.s32 s5, s0;
	s28 =	sand.u32 $0x1FFFFFF0, s28;
	s29 =	spop (v2sf)  }
0xa2: {  	[tilespmem:s10], [sflag:$0x1] =	stream.linear.gather [hbm4b:s0+s2], $0x80, $0x38;
	(v2sf) =	vpush v0, $0xD;
	[tilespmem:$0x10200] =	vst v63  }
0xa3: {  	s0 =	sadd.s32 s5, s28;
	s10 =	sand.u32 $0x1FFFFFF0, s29;
	s28 =	spop (v2sf)  }
0xa4: {  	[tilespmem:s14], [sflag:$0x1] =	stream.linear.gather [hbm4b:s0+s2], $0x80, $0x38;
	(v2sf) =	vpush v0, $0xE;
	[tilespmem:$0x10200] =	vst v63  }
0xa5: {  	s0 =	sadd.s32 s5, s1;
	s1 =	sand.u32 $0x1FFFFFF0, s28;
	s14 =	spop (v2sf)  }
0xa6: {  	[tilespmem:s8], [sflag:$0x1] =	stream.linear.gather [hbm4b:s0+s2], $0x80, $0x38;
	(v2sf) =	vpush v0, $0xF;
	[tilespmem:$0x10200] =	vst v63  }
0xa7: {  	s0 =	sadd.s32 s5, s10;
	s8 =	sand.u32 $0x1FFFFFF0, s14;
	s10 =	spop (v2sf)  }
0xa8: {  	[tilespmem:s26], [sflag:$0x1] =	stream.linear.gather [hbm4b:s0+s2], $0x80, $0x38;
	[tilespmem:$0x10200] =	vst v63  }
0xa9: {  	s0 =	sadd.s32 s5, s1;
	s1 =	sand.u32 $0x1FFFFFF0, s10;
	s10 =	spop (v2sf)  }
0xaa: {  	[tilespmem:s9], [sflag:$0x1] =	stream.linear.gather [hbm4b:s0+s2], $0x80, $0x38;
	[tilespmem:$0x10200] =	vst v63  }
0xab: {  	s0 =	sadd.s32 s5, s8;
	s8 =	sand.u32 $0x1FFFFFF0, s10;
	s9 =	spop (v2sf)  }
0xac: {  	[tilespmem:s24], [sflag:$0x1] =	stream.linear.gather [hbm4b:s0+s2], $0x80, $0x38;
	[tilespmem:$0x10200] =	vst v63  }
0xad: {  	s0 =	sadd.s32 s5, s1;
	s1 =	sand.u32 $0x1FFFFFF0, s9;
	s9 =	spop (v2sf)  }
0xae: {  	[tilespmem:s23], [sflag:$0x1] =	stream.linear.gather [hbm4b:s0+s2], $0x80, $0x38;
	[tilespmem:$0x10200] =	vst v63  }
0xaf: {  	s0 =	sadd.s32 s5, s8;
	s8 =	sand.u32 $0x1FFFFFF0, s9;
	s9 =	spop (v2sf)  }
0xb0: {  	[tilespmem:s25], [sflag:$0x1] =	stream.linear.gather [hbm4b:s0+s2], $0x80, $0x38;
	[tilespmem:$0x10200] =	vst v63  }
0xb1: {  	s0 =	sadd.s32 s5, s1;
	s1 =	sand.u32 $0x1FFFFFF0, s9;
	s9 =	spop (v2sf)  }
0xb2: {  	[tilespmem:s22], [sflag:$0x1] =	stream.linear.gather [hbm4b:s0+s2], $0x80, $0x38;
	[tilespmem:$0x10200] =	vst v63  }
0xb3: {  	s0 =	sadd.s32 s5, s8;
	s8 =	sand.u32 $0x1FFFFFF0, s9;
	s9 =	spop (v2sf)  }
0xb4: {  	[tilespmem:s21], [sflag:$0x1] =	stream.linear.gather [hbm4b:s0+s2], $0x80, $0x38;
	[tilespmem:$0x10200] =	vst v63  }
0xb5: {  	s0 =	sadd.s32 s5, s1;
	s1 =	sand.u32 $0x1FFFFFF0, s9;
	s9 =	spop (v2sf)  }
0xb6: {  	[tilespmem:s19], [sflag:$0x1] =	stream.linear.gather [hbm4b:s0+s2], $0x80, $0x38;
	[tilespmem:$0x10200] =	vst v63  }
0xb7: {  	s0 =	sadd.s32 s5, s8;
	s8 =	sand.u32 $0x1FFFFFF0, s9  }
0xb8: {  	[tilespmem:s20], [sflag:$0x1] =	stream.linear.gather [hbm4b:s0+s2], $0x80, $0x38;
	[tilespmem:$0x10200] =	vst v63  }
0xb9: {  	s1 =	sadd.s32 s5, s1;
	s0 =	sadd.s32 $0x900, s15  }
0xba: {  	[tilespmem:s0], [sflag:$0x1] =	stream.linear.gather [hbm4b:s1+s2], $0x80, $0x38;
	[tilespmem:$0x10200] =	vst v63  }
0xbb: {  	s0 =	sadd.s32 $0x980, s15;
	s1 =	sadd.s32 s5, s8  }
0xbc: {  	[tilespmem:s0], [sflag:$0x1] =	stream.linear.gather [hbm4b:s1+s2], $0x80, $0x38;
	[tilespmem:$0x10200] =	vst v63  }
0xbd: {  	v0 =	vld [tilespmem:s16+$0x0];
	_ =	sdelay $0x4  }
0xbe: {  	v0 =	vshll.u32 v0, $0x4  }
0xbf: {  	(v2sf) =	vpush v0, $0x0  }
0xc0: {  	(v2sf) =	vpush v0, $0x1  }
0xc1: {  	(v2sf) =	vpush v0, $0x2;
	_ =	sdelay $0x1  }
0xc2: {  	(v2sf) =	vpush v0, $0x4  }
.Ltmp3:
0xc3: {  	(pc) =	sbr.rel @p0 .LBB2_8-.Ltmp3, $3  }
0xc4: {  	(v2sf) =	vpush v0, $0x3  }
0xc5: {  	(v2sf) =	vpush v0, $0x5;
	_ =	sdelay $0x1  }
0xc6: {  	s15 =	sshra.s32 s18, $0x2;
	(v2sf) =	vpush v0, $0x6  }
0xc7: {  	_ =	sdelay $0x1  }
0xc8: {  	s0 =	sadd.s32 $0x280, s15;
	s18 =	sadd.s32 $0x780, s15  }
0xc9: {  	s1 =	sadd.s32 $0x580, s15;
	s16 =	sadd.s32 $0x800, s15;
	(v2sf) =	vpush v0, $0x7;
	s8 =	sadd.s32 $0x480, s15  }
0xca: {  	s9 =	sadd.s32 $0x600, s15;
	s17 =	sadd.s32 $0x880, s15;
	s10 =	sadd.s32 $0x200, s15  }
0xcb: {  	s14 =	sadd.s32 $0x400, s15;
	s19 =	sadd.s32 $0x500, s15;
	(v2sf) =	vpush v0, $0x8;
	s20 =	spop (v2sf)  }
0xcc: {  	s21 =	sadd.s32 $0x300, s15;
	s20 =	sand.u32 $0x1FFFFFF0, s20;
	s22 =	spop (v2sf)  }
0xcd: {  	(v2sf) =	vpush v0, $0x9;
	s20 =	sadd.s32 s5, s20;
	s22 =	sand.u32 $0x1FFFFFF0, s22;
	s23 =	spop (v2sf)  }
0xce: {  	[tilespmem:s10], [sflag:$0x1] =	stream.linear.gather [hbm4b:s20+s2], $0x80, $0x38;
	[tilespmem:$0x10200] =	vst v63  }
0xcf: {  	(v2sf) =	vpush v0, $0xA;
	s24 =	sadd.s32 s5, s22;
	s26 =	sand.u32 $0x1FFFFFF0, s23;
	s25 =	spop (v2sf)  }
0xd0: {  	[tilespmem:s0], [sflag:$0x1] =	stream.linear.gather [hbm4b:s24+s2], $0x80, $0x38;
	[tilespmem:$0x10200] =	vst v63  }
0xd1: {  	s10 =	sadd.s32 $0x700, s15;
	(v2sf) =	vpush v0, $0xB;
	s20 =	sadd.s32 s5, s26;
	s28 =	spop (v2sf)  }
0xd2: {  	s0 =	sadd.s32 $0x680, s15;
	s24 =	sadd.s32 $0x380, s15;
	s23 =	sand.u32 $0x1FFFFFF0, s28  }
0xd3: {  	(v2sf) =	vpush v0, $0xC;
	[tilespmem:s21], [sflag:$0x1] =	stream.linear.gather [hbm4b:s20+s2], $0x80, $0x38;
	[tilespmem:$0x10200] =	vst v63  }
0xd4: {  	s29 =	sand.u32 $0x1FFFFFF0, s25;
	s30 =	spop (v2sf);
	s31 =	sadd.s32 s5, s23  }
0xd5: {  	(v2sf) =	vpush v0, $0xD;
	[tilespmem:s24], [sflag:$0x1] =	stream.linear.gather [hbm4b:s31+s2], $0x80, $0x38;
	[tilespmem:$0x10200] =	vst v63  }
0xd6: {  	s20 =	sadd.s32 s5, s29;
	s21 =	sand.u32 $0x1FFFFFF0, s30;
	s23 =	spop (v2sf)  }
0xd7: {  	(v2sf) =	vpush v0, $0xE;
	[tilespmem:s14], [sflag:$0x1] =	stream.linear.gather [hbm4b:s20+s2], $0x80, $0x38;
	[tilespmem:$0x10200] =	vst v63  }
0xd8: {  	s21 =	sadd.s32 s5, s21;
	s24 =	sand.u32 $0x1FFFFFF0, s23;
	s25 =	spop (v2sf)  }
0xd9: {  	(v2sf) =	vpush v0, $0xF;
	[tilespmem:s8], [sflag:$0x1] =	stream.linear.gather [hbm4b:s21+s2], $0x80, $0x38;
	[tilespmem:$0x10200] =	vst v63  }
0xda: {  	s26 =	sand.u32 $0x1FFFFFF0, s25;
	s28 =	spop (v2sf);
	s14 =	sadd.s32 s5, s24  }
0xdb: {  	[tilespmem:s19], [sflag:$0x1] =	stream.linear.gather [hbm4b:s14+s2], $0x80, $0x38;
	[tilespmem:$0x10200] =	vst v63  }
0xdc: {  	s29 =	sand.u32 $0x1FFFFFF0, s28;
	s8 =	sadd.s32 s5, s26;
	s30 =	spop (v2sf)  }
0xdd: {  	[tilespmem:s1], [sflag:$0x1] =	stream.linear.gather [hbm4b:s8+s2], $0x80, $0x38;
	[tilespmem:$0x10200] =	vst v63  }
0xde: {  	s14 =	sadd.s32 s5, s29;
	s31 =	sand.u32 $0x1FFFFFF0, s30;
	s19 =	spop (v2sf)  }
0xdf: {  	[tilespmem:s9], [sflag:$0x1] =	stream.linear.gather [hbm4b:s14+s2], $0x80, $0x38;
	[tilespmem:$0x10200] =	vst v63  }
0xe0: {  	s8 =	sand.u32 $0x1FFFFFF0, s19;
	s1 =	sadd.s32 s5, s31;
	s20 =	spop (v2sf)  }
0xe1: {  	[tilespmem:s0], [sflag:$0x1] =	stream.linear.gather [hbm4b:s1+s2], $0x80, $0x38;
	[tilespmem:$0x10200] =	vst v63  }
0xe2: {  	s8 =	sadd.s32 s5, s8;
	s21 =	sand.u32 $0x1FFFFFF0, s20;
	s22 =	spop (v2sf)  }
0xe3: {  	[tilespmem:s10], [sflag:$0x1] =	stream.linear.gather [hbm4b:s8+s2], $0x80, $0x38;
	[tilespmem:$0x10200] =	vst v63  }
0xe4: {  	s0 =	sadd.s32 s5, s21;
	s1 =	sand.u32 $0x1FFFFFF0, s22;
	s23 =	spop (v2sf)  }
0xe5: {  	[tilespmem:s18], [sflag:$0x1] =	stream.linear.gather [hbm4b:s0+s2], $0x80, $0x38;
	[tilespmem:$0x10200] =	vst v63  }
0xe6: {  	s24 =	sand.u32 $0x1FFFFFF0, s23;
	s1 =	sadd.s32 s5, s1;
	s25 =	spop (v2sf)  }
0xe7: {  	[tilespmem:s16], [sflag:$0x1] =	stream.linear.gather [hbm4b:s1+s2], $0x80, $0x38;
	[tilespmem:$0x10200] =	vst v63  }
0xe8: {  	s26 =	sand.u32 $0x1FFFFFF0, s25;
	s28 =	spop (v2sf);
	s0 =	sadd.s32 s5, s24  }
0xe9: {  	[tilespmem:s17], [sflag:$0x1] =	stream.linear.gather [hbm4b:s0+s2], $0x80, $0x38;
	[tilespmem:$0x10200] =	vst v63  }
0xea: {  	s30 =	sadd.s32 $0x900, s15;
	s29 =	sand.u32 $0x1FFFFFF0, s28;
	s1 =	sadd.s32 s5, s26  }
0xeb: {  	[tilespmem:s30], [sflag:$0x1] =	stream.linear.gather [hbm4b:s1+s2], $0x80, $0x38;
	[tilespmem:$0x10200] =	vst v63  }
0xec: {  	s31 =	sadd.s32 $0x980, s15;
	s0 =	sadd.s32 s5, s29  }
0xed: {  	[tilespmem:s31], [sflag:$0x1] =	stream.linear.gather [hbm4b:s0+s2], $0x80, $0x38;
	[tilespmem:$0x10200] =	vst v63  }
0xee: {  	_ =	swait.ge [sflag:s12], $0x80  }
0xef: {  	s15 =	simm.s32 $0x1FF;
	[sflag:s12] =	ssyncset.done $0x0  }
.LBB2_10:
0xf0: {  	p0 =	sne.s32 s15, $0x1;
	s15 =	sadd.s32 $0xFFFFFFFF, s15;
	[sflag:s12] =	ssyncadd.s32 $0xFFFFFF80  }
.Ltmp4:
0xf1: {  	(pc) =	sbr.rel @p0 .LBB2_10-.Ltmp4, $3  }
0xf2: {  	_ =	sdelay $0x1  }
0xf3: {  	_ =	swait.ge [sflag:s12], $0x80  }
0xf4: {  	[sflag:s12] =	ssyncset.done $0x0  }
0xf5: {  	[sflag:s12] =	ssyncadd.s32 $0xFFFFFF80;
	s0 =	rddreg [dreg:$0x4]  }
0xf6: {  	[hbm4b:s0+s2] =	stream.linear.scatter [tilespmem:s13], [sflag:$0x2], $0x10000, $0x38;
	[tilespmem:$0x10200] =	vst v63  }
0xf7: {  	_ =	swait.ge [sflag:s11], $0x10000  }
0xf8: {  	s1 =	rddreg [dreg:$0x6]  }
0xf9: {  	s31 =	rddreg [dreg:$0x5];
	s1 =	sadd.s32 $0x1, s1  }
0xfa: {  	p0 =	sne.s32 s1, s31  }
.Ltmp5:
0xfb: {  	_ = 	snop;
	(pc) =	sbr.rel @p0 .LBB2_1-.Ltmp5, $3  }
0xfc: {  	_ =	sdelay $0x1  }
0xfd: {  	[sflag:s11] =	ssyncset.done $0x0  }
0xfe: {  	[sflag:s11] =	ssyncadd.s32 $0xFFFF0000  }
0xff: {  	_ =	sfence.sel $0x180000  }
0x100: {  	[bflag:$0x0] =	sbarrier.arrive $0xFFFF  }
0x101: {  	_ =	strace $0x90000047  }
0x102: {  	s0 =	stileid.u32;
	[bflag:$0x2] =	sbarrier.arrive $0xFFFF  }
0x103: {  	p0 =	sne.s32 s0, $0x0;
	s0 =	rddreg [dreg:$0x2]  }
0x104: {  	s0 =	sadd.s32 @!p0 $0x100000, s0  }
0x105: {  	[sflag:s0] =	ssyncadd.tile.s32 @!p0 $0x1;
	_ =	shalt  }
.Lfunc_end2:
_tile_overlayer_lowered:
.L_overlay_start_2:
0x106: {  	(tag) =	ssettag $0x2  }
0x107: {  	s0 =	rddreg [dreg:$0x0];
	s2 =	stileid.u32  }
0x108: {  	s1 =	rddreg [dreg:$0x1];
	p0 =	sne.s32 s2, $0x0  }
0x109: {  	s3 =	rddreg [dreg:$0x2];
	[bflag:$0x3] =	sbarrier.arrive $0xFFFF;
	s2 =	simm.s32 @!p0 $0x1C02  }
0x10a: {  	[timem:s3], [sflag:s2] =	dma.local @!p0 [hbm:s0], s1  }
0x10b: {  	s0 =	simm.s32 @!p0 $0x2  }
0x10c: {  	_ =	swait.ge @!p0 [sflag:s0], s1  }
0x10d: {  	s1 =	ssub.s32 @!p0 $0x0, s1;
	[sflag:s0] =	ssyncset.done @!p0 $0x0  }
0x10e: {  	[sflag:s0] =	ssyncadd.s32 @!p0 s1  }
0x10f: {  	[bflag:$0x3] =	sbarrier.arrive $0xFFFF  }
0x110: {  	_ =	shalt  }

</sc_bundles>
